<compile_context>
chip_gen: v7x
topology: tpu7x:2x2x1
jax: 0.10.2.dev20260603
libtpu: 0.0.44.dev20260713+nightly
codegen_flags: <defaults>
</compile_context>

<pallas_src>
import functools

import jax
import jax.numpy as jnp
from jax import lax
from jax.experimental import pallas as pl
from jax.experimental.pallas import tpu as pltpu
from jax.experimental.pallas import tpu_sc as plsc

B = 16384
S = 20
D = 64
L = 16
NC, NS = 2, 16
NW = NC * NS

CB = 32
K = CB * S
G = 128
NG = K // G
BATCH_PER_W = B // NW
CHUNKS = BATCH_PER_W // CB
ROWS_PER_W = BATCH_PER_W * S

_mesh = plsc.VectorSubcoreMesh(
    core_axis_name="c", subcore_axis_name="s", num_cores=NC, num_subcores=NS
)


@functools.partial(
    pl.kernel,
    out_type=jax.ShapeDtypeStruct((B, D), jnp.float32),
    mesh=_mesh,
    scratch_types=[
        pltpu.VMEM((K,), jnp.int32),
        pltpu.VMEM((K, D), jnp.float32),
        pltpu.VMEM((CB, D), jnp.float32),
        pltpu.SemaphoreType.DMA,
    ],
    compiler_params=pltpu.CompilerParams(use_tc_tiling_on_sc=False),
)
def _embed_mean(labels_hbm, table_hbm, out_hbm, idx_v, rows_v, out_v, sem):
    wid = lax.axis_index("s") * NC + lax.axis_index("c")

    def chunk_body(ci, carry):
        rowbase = wid * ROWS_PER_W + ci * K
        pltpu.sync_copy(labels_hbm.at[pl.ds(rowbase, K)], idx_v)
        copies = []
        for j in range(NG):
            copies.append(
                pltpu.async_copy(
                    table_hbm.at[idx_v.at[pl.ds(j * G, G)]],
                    rows_v.at[pl.ds(j * G, G)],
                    sem,
                )
            )
        for c in copies:
            c.wait()

        def batch_body(b, carry2):
            rbase = b * S
            for d in range(D // L):
                sl = pl.ds(d * L, L)
                acc = rows_v[rbase, sl]
                for s2 in range(1, S):
                    acc = acc + rows_v[rbase + s2, sl]
                out_v[b, sl] = acc * (1.0 / S)
            return carry2

        lax.fori_loop(0, CB, batch_body, 0)
        pltpu.sync_copy(out_v, out_hbm.at[pl.ds(wid * BATCH_PER_W + ci * CB, CB)])
        return carry

    lax.fori_loop(0, CHUNKS, chunk_body, 0)


def kernel(labels, table):
    idx = labels.astype(jnp.int32).reshape(B * S)
    return _embed_mean(idx, table)

# --- scband reference (transcript-rebuilt; emitter-appended) ---
"""Pipeline reference for scband-label-encoder-82162724372849 (READ-ONLY COPY).

The authoritative reference and input builder live on the scoring server;
editing this copy changes nothing except your own understanding.
"""

import jax, jax.numpy as jnp
import numpy as np

NUM_TOKENS = 1000000
EMB_DIM = 64
BATCH = 16384
SEQ_LEN = 20


def setup_inputs(seed: int = 0) -> dict:
    key = jax.random.key(seed)
    k1, k2 = jax.random.split(key)
    labels = jax.random.randint(k1, (BATCH, SEQ_LEN), 0, NUM_TOKENS, dtype=jnp.int64 if jax.config.jax_enable_x64 else jnp.int32)
    table = jax.random.normal(k2, (NUM_TOKENS, EMB_DIM), dtype=jnp.float32) * 0.02
    return {"labels": labels, "table": table}


def reference(labels, table):
    # emb = self.embedding(labels)  -> gather rows: [bs, seq_len, emb_dim]
    emb = jnp.take(table, labels, axis=0)
    # .mean(dim=1) -> [bs, emb_dim]
    emb = emb.mean(axis=1)
    # dropout is identity in eval mode
    return emb

if __name__ == "__main__":
    import jax
    _d = setup_inputs()
    print(jax.jit(kernel)(*tuple(_d.values())))

</pallas_src>

<mosaic_0001>
#map = affine_map<(d0, d1) -> (0)>
#map1 = affine_map<(d0, d1) -> (0, 0)>
module attributes {stable_mosaic.version = 14 : i64} {
  func.func @_embed_mean(%arg0: i32, %arg1: i32, %arg2: memref<327680xi32, #tpu.memory_space<hbm>>, %arg3: memref<1000000x64xf32, #tpu.memory_space<hbm>>, %arg4: memref<16384x64xf32, #tpu.memory_space<hbm>>, %arg5: memref<640xi32, #tpu.memory_space<vmem>>, %arg6: memref<640x64xf32, #tpu.memory_space<vmem>>, %arg7: memref<32x64xf32, #tpu.memory_space<vmem>>, %arg8: memref<!tpu.dma_semaphore, #tpu.memory_space<semaphore_mem>>) attributes {dimension_semantics = [#tpu.dimension_semantics<core_parallel>, #tpu.dimension_semantics<subcore_parallel>], iteration_bounds = array<i64: 2, 16>, scalar_prefetch = 0 : i64, scratch_operands = 4 : i64, tpu.core_type = #tpu.core_type<sc_vector_subcore>, window_params = [{transform_indices = #map}, {transform_indices = #map1}, {transform_indices = #map1}]} {
    %mul3A = arith.constant 2 : i32
    %mul3A_0 = arith.muli %arg1, %mul3A : i32
    %add3A = arith.addi %mul3A_0, %arg0 : i32
    %scan3A = arith.constant 0 : i32
    %scan3A_1 = arith.constant 0 : i32
    %scan3A_2 = arith.constant 16 : i32
    %scan3A_3 = arith.addi %scan3A_1, %scan3A_2 : i32
    %scan3A_4 = arith.constant 1 : i32
    scf.for %scan3A_6 = %scan3A_1 to %scan3A_3 step %scan3A_4  : i32 {
      %mul3A_7 = arith.constant 10240 : i32
      %mul3A_8 = arith.muli %add3A, %mul3A_7 : i32
      %mul3A_9 = arith.constant 640 : i32
      %mul3A_10 = arith.muli %scan3A_6, %mul3A_9 : i32
      %add3A_11 = arith.addi %mul3A_8, %mul3A_10 : i32
      "tpu.region"() ({
        %run_scoped3A = tpu.sem_alloc : memref<!tpu.dma_semaphore, #tpu.memory_space<semaphore_mem>>
        %dma_start3A_101 = tpu.memref_slice %arg2[%add3A_11] : memref<327680xi32, #tpu.memory_space<hbm>> -> memref<640xi32, #tpu.memory_space<hbm>>
        %dma_start3A_102 = tpu.memref_slice %arg2[%add3A_11] : memref<327680xi32, #tpu.memory_space<hbm>> -> memref<640xi32, #tpu.memory_space<hbm>>
        tpu.enqueue_dma source(%dma_start3A_102 : memref<640xi32, #tpu.memory_space<hbm>>) target(%arg5 : memref<640xi32, #tpu.memory_space<vmem>>) target_semaphore(%run_scoped3A : memref<!tpu.dma_semaphore, #tpu.memory_space<semaphore_mem>>)
        %dma_wait3A_103 = tpu.memref_slice %arg2[%add3A_11] : memref<327680xi32, #tpu.memory_space<hbm>> -> memref<640xi32, #tpu.memory_space<hbm>>
        %dma_wait3A_104 = tpu.memref_slice %arg2[%add3A_11] : memref<327680xi32, #tpu.memory_space<hbm>> -> memref<640xi32, #tpu.memory_space<hbm>>
        tpu.wait_dma2 semaphore(%run_scoped3A : memref<!tpu.dma_semaphore, #tpu.memory_space<semaphore_mem>>) src(%dma_wait3A_104 : memref<640xi32, #tpu.memory_space<hbm>>) dst(%arg5 : memref<640xi32, #tpu.memory_space<vmem>>)
        tpu.yield
      }) : () -> ()
      %dma_start3A = arith.constant 0 : i32
      %dma_start3A_12 = arith.constant 0 : i32
      %dma_start3A_13 = tpu.memref_slice %arg6[%dma_start3A, %dma_start3A_12] : memref<640x64xf32, #tpu.memory_space<vmem>> -> memref<128x64xf32, #tpu.memory_space<vmem>>
      %dma_start3A_14 = arith.constant 0 : i32
      %dma_start3A_15 = tpu.memref_slice %arg5[%dma_start3A_14] : memref<640xi32, #tpu.memory_space<vmem>> -> memref<128xi32, #tpu.memory_space<vmem>>
      %dma_start3A_16 = arith.constant 0 : i32
      %dma_start3A_17 = arith.constant 0 : i32
      %dma_start3A_18 = tpu.memref_slice %arg3[%dma_start3A_16, %dma_start3A_17] : memref<1000000x64xf32, #tpu.memory_space<hbm>> -> memref<1000000x64xf32, #tpu.memory_space<hbm>>
      tpu.enqueue_indirect_dma source(%dma_start3A_18 : memref<1000000x64xf32, #tpu.memory_space<hbm>>) target(%dma_start3A_13 : memref<128x64xf32, #tpu.memory_space<vmem>>) offsets(%dma_start3A_15 : memref<128xi32, #tpu.memory_space<vmem>>) semaphore(%arg8 : memref<!tpu.dma_semaphore, #tpu.memory_space<semaphore_mem>>)
      %dma_start3A_19 = arith.constant 128 : i32
      %dma_start3A_20 = arith.constant 0 : i32
      %dma_start3A_21 = tpu.memref_slice %arg6[%dma_start3A_19, %dma_start3A_20] : memref<640x64xf32, #tpu.memory_space<vmem>> -> memref<128x64xf32, #tpu.memory_space<vmem>>
      %dma_start3A_22 = arith.constant 128 : i32
      %dma_start3A_23 = tpu.memref_slice %arg5[%dma_start3A_22] : memref<640xi32, #tpu.memory_space<vmem>> -> memref<128xi32, #tpu.memory_space<vmem>>
      %dma_start3A_24 = arith.constant 0 : i32
      %dma_start3A_25 = arith.constant 0 : i32
      %dma_start3A_26 = tpu.memref_slice %arg3[%dma_start3A_24, %dma_start3A_25] : memref<1000000x64xf32, #tpu.memory_space<hbm>> -> memref<1000000x64xf32, #tpu.memory_space<hbm>>
      tpu.enqueue_indirect_dma source(%dma_start3A_26 : memref<1000000x64xf32, #tpu.memory_space<hbm>>) target(%dma_start3A_21 : memref<128x64xf32, #tpu.memory_space<vmem>>) offsets(%dma_start3A_23 : memref<128xi32, #tpu.memory_space<vmem>>) semaphore(%arg8 : memref<!tpu.dma_semaphore, #tpu.memory_space<semaphore_mem>>)
      %dma_start3A_27 = arith.constant 256 : i32
      %dma_start3A_28 = arith.constant 0 : i32
      %dma_start3A_29 = tpu.memref_slice %arg6[%dma_start3A_27, %dma_start3A_28] : memref<640x64xf32, #tpu.memory_space<vmem>> -> memref<128x64xf32, #tpu.memory_space<vmem>>
      %dma_start3A_30 = arith.constant 256 : i32
      %dma_start3A_31 = tpu.memref_slice %arg5[%dma_start3A_30] : memref<640xi32, #tpu.memory_space<vmem>> -> memref<128xi32, #tpu.memory_space<vmem>>
      %dma_start3A_32 = arith.constant 0 : i32
      %dma_start3A_33 = arith.constant 0 : i32
      %dma_start3A_34 = tpu.memref_slice %arg3[%dma_start3A_32, %dma_start3A_33] : memref<1000000x64xf32, #tpu.memory_space<hbm>> -> memref<1000000x64xf32, #tpu.memory_space<hbm>>
      tpu.enqueue_indirect_dma source(%dma_start3A_34 : memref<1000000x64xf32, #tpu.memory_space<hbm>>) target(%dma_start3A_29 : memref<128x64xf32, #tpu.memory_space<vmem>>) offsets(%dma_start3A_31 : memref<128xi32, #tpu.memory_space<vmem>>) semaphore(%arg8 : memref<!tpu.dma_semaphore, #tpu.memory_space<semaphore_mem>>)
      %dma_start3A_35 = arith.constant 384 : i32
      %dma_start3A_36 = arith.constant 0 : i32
      %dma_start3A_37 = tpu.memref_slice %arg6[%dma_start3A_35, %dma_start3A_36] : memref<640x64xf32, #tpu.memory_space<vmem>> -> memref<128x64xf32, #tpu.memory_space<vmem>>
      %dma_start3A_38 = arith.constant 384 : i32
      %dma_start3A_39 = tpu.memref_slice %arg5[%dma_start3A_38] : memref<640xi32, #tpu.memory_space<vmem>> -> memref<128xi32, #tpu.memory_space<vmem>>
      %dma_start3A_40 = arith.constant 0 : i32
      %dma_start3A_41 = arith.constant 0 : i32
      %dma_start3A_42 = tpu.memref_slice %arg3[%dma_start3A_40, %dma_start3A_41] : memref<1000000x64xf32, #tpu.memory_space<hbm>> -> memref<1000000x64xf32, #tpu.memory_space<hbm>>
      tpu.enqueue_indirect_dma source(%dma_start3A_42 : memref<1000000x64xf32, #tpu.memory_space<hbm>>) target(%dma_start3A_37 : memref<128x64xf32, #tpu.memory_space<vmem>>) offsets(%dma_start3A_39 : memref<128xi32, #tpu.memory_space<vmem>>) semaphore(%arg8 : memref<!tpu.dma_semaphore, #tpu.memory_space<semaphore_mem>>)
      %dma_start3A_43 = arith.constant 512 : i32
      %dma_start3A_44 = arith.constant 0 : i32
      %dma_start3A_45 = tpu.memref_slice %arg6[%dma_start3A_43, %dma_start3A_44] : memref<640x64xf32, #tpu.memory_space<vmem>> -> memref<128x64xf32, #tpu.memory_space<vmem>>
      %dma_start3A_46 = arith.constant 512 : i32
      %dma_start3A_47 = tpu.memref_slice %arg5[%dma_start3A_46] : memref<640xi32, #tpu.memory_space<vmem>> -> memref<128xi32, #tpu.memory_space<vmem>>
      %dma_start3A_48 = arith.constant 0 : i32
      %dma_start3A_49 = arith.constant 0 : i32
      %dma_start3A_50 = tpu.memref_slice %arg3[%dma_start3A_48, %dma_start3A_49] : memref<1000000x64xf32, #tpu.memory_space<hbm>> -> memref<1000000x64xf32, #tpu.memory_space<hbm>>
      tpu.enqueue_indirect_dma source(%dma_start3A_50 : memref<1000000x64xf32, #tpu.memory_space<hbm>>) target(%dma_start3A_45 : memref<128x64xf32, #tpu.memory_space<vmem>>) offsets(%dma_start3A_47 : memref<128xi32, #tpu.memory_space<vmem>>) semaphore(%arg8 : memref<!tpu.dma_semaphore, #tpu.memory_space<semaphore_mem>>)
      %dma_wait3A = arith.constant 0 : i32
      %dma_wait3A_51 = arith.constant 0 : i32
      %dma_wait3A_52 = tpu.memref_slice %arg6[%dma_wait3A, %dma_wait3A_51] : memref<640x64xf32, #tpu.memory_space<vmem>> -> memref<128x64xf32, #tpu.memory_space<vmem>>
      %dma_wait3A_53 = arith.constant 0 : i32
      %dma_wait3A_54 = tpu.memref_slice %arg5[%dma_wait3A_53] : memref<640xi32, #tpu.memory_space<vmem>> -> memref<128xi32, #tpu.memory_space<vmem>>
      %dma_wait3A_55 = arith.constant 0 : i32
      %dma_wait3A_56 = arith.constant 0 : i32
      %dma_wait3A_57 = tpu.memref_slice %arg3[%dma_wait3A_55, %dma_wait3A_56] : memref<1000000x64xf32, #tpu.memory_space<hbm>> -> memref<1000000x64xf32, #tpu.memory_space<hbm>>
      tpu.wait_indirect_dma semaphore(%arg8 : memref<!tpu.dma_semaphore, #tpu.memory_space<semaphore_mem>>) src(%dma_wait3A_57 : memref<1000000x64xf32, #tpu.memory_space<hbm>>) dst(%dma_wait3A_52 : memref<128x64xf32, #tpu.memory_space<vmem>>)
      %dma_wait3A_58 = arith.constant 128 : i32
      %dma_wait3A_59 = arith.constant 0 : i32
      %dma_wait3A_60 = tpu.memref_slice %arg6[%dma_wait3A_58, %dma_wait3A_59] : memref<640x64xf32, #tpu.memory_space<vmem>> -> memref<128x64xf32, #tpu.memory_space<vmem>>
      %dma_wait3A_61 = arith.constant 128 : i32
      %dma_wait3A_62 = tpu.memref_slice %arg5[%dma_wait3A_61] : memref<640xi32, #tpu.memory_space<vmem>> -> memref<128xi32, #tpu.memory_space<vmem>>
      %dma_wait3A_63 = arith.constant 0 : i32
      %dma_wait3A_64 = arith.constant 0 : i32
      %dma_wait3A_65 = tpu.memref_slice %arg3[%dma_wait3A_63, %dma_wait3A_64] : memref<1000000x64xf32, #tpu.memory_space<hbm>> -> memref<1000000x64xf32, #tpu.memory_space<hbm>>
      tpu.wait_indirect_dma semaphore(%arg8 : memref<!tpu.dma_semaphore, #tpu.memory_space<semaphore_mem>>) src(%dma_wait3A_65 : memref<1000000x64xf32, #tpu.memory_space<hbm>>) dst(%dma_wait3A_60 : memref<128x64xf32, #tpu.memory_space<vmem>>)
      %dma_wait3A_66 = arith.constant 256 : i32
      %dma_wait3A_67 = arith.constant 0 : i32
      %dma_wait3A_68 = tpu.memref_slice %arg6[%dma_wait3A_66, %dma_wait3A_67] : memref<640x64xf32, #tpu.memory_space<vmem>> -> memref<128x64xf32, #tpu.memory_space<vmem>>
      %dma_wait3A_69 = arith.constant 256 : i32
      %dma_wait3A_70 = tpu.memref_slice %arg5[%dma_wait3A_69] : memref<640xi32, #tpu.memory_space<vmem>> -> memref<128xi32, #tpu.memory_space<vmem>>
      %dma_wait3A_71 = arith.constant 0 : i32
      %dma_wait3A_72 = arith.constant 0 : i32
      %dma_wait3A_73 = tpu.memref_slice %arg3[%dma_wait3A_71, %dma_wait3A_72] : memref<1000000x64xf32, #tpu.memory_space<hbm>> -> memref<1000000x64xf32, #tpu.memory_space<hbm>>
      tpu.wait_indirect_dma semaphore(%arg8 : memref<!tpu.dma_semaphore, #tpu.memory_space<semaphore_mem>>) src(%dma_wait3A_73 : memref<1000000x64xf32, #tpu.memory_space<hbm>>) dst(%dma_wait3A_68 : memref<128x64xf32, #tpu.memory_space<vmem>>)
      %dma_wait3A_74 = arith.constant 384 : i32
      %dma_wait3A_75 = arith.constant 0 : i32
      %dma_wait3A_76 = tpu.memref_slice %arg6[%dma_wait3A_74, %dma_wait3A_75] : memref<640x64xf32, #tpu.memory_space<vmem>> -> memref<128x64xf32, #tpu.memory_space<vmem>>
      %dma_wait3A_77 = arith.constant 384 : i32
      %dma_wait3A_78 = tpu.memref_slice %arg5[%dma_wait3A_77] : memref<640xi32, #tpu.memory_space<vmem>> -> memref<128xi32, #tpu.memory_space<vmem>>
      %dma_wait3A_79 = arith.constant 0 : i32
      %dma_wait3A_80 = arith.constant 0 : i32
      %dma_wait3A_81 = tpu.memref_slice %arg3[%dma_wait3A_79, %dma_wait3A_80] : memref<1000000x64xf32, #tpu.memory_space<hbm>> -> memref<1000000x64xf32, #tpu.memory_space<hbm>>
      tpu.wait_indirect_dma semaphore(%arg8 : memref<!tpu.dma_semaphore, #tpu.memory_space<semaphore_mem>>) src(%dma_wait3A_81 : memref<1000000x64xf32, #tpu.memory_space<hbm>>) dst(%dma_wait3A_76 : memref<128x64xf32, #tpu.memory_space<vmem>>)
      %dma_wait3A_82 = arith.constant 512 : i32
      %dma_wait3A_83 = arith.constant 0 : i32
      %dma_wait3A_84 = tpu.memref_slice %arg6[%dma_wait3A_82, %dma_wait3A_83] : memref<640x64xf32, #tpu.memory_space<vmem>> -> memref<128x64xf32, #tpu.memory_space<vmem>>
      %dma_wait3A_85 = arith.constant 512 : i32
      %dma_wait3A_86 = tpu.memref_slice %arg5[%dma_wait3A_85] : memref<640xi32, #tpu.memory_space<vmem>> -> memref<128xi32, #tpu.memory_space<vmem>>
      %dma_wait3A_87 = arith.constant 0 : i32
      %dma_wait3A_88 = arith.constant 0 : i32
      %dma_wait3A_89 = tpu.memref_slice %arg3[%dma_wait3A_87, %dma_wait3A_88] : memref<1000000x64xf32, #tpu.memory_space<hbm>> -> memref<1000000x64xf32, #tpu.memory_space<hbm>>
      tpu.wait_indirect_dma semaphore(%arg8 : memref<!tpu.dma_semaphore, #tpu.memory_space<semaphore_mem>>) src(%dma_wait3A_89 : memref<1000000x64xf32, #tpu.memory_space<hbm>>) dst(%dma_wait3A_84 : memref<128x64xf32, #tpu.memory_space<vmem>>)
      %scan3A_90 = arith.constant 0 : i32
      %scan3A_91 = arith.constant 0 : i32
      %scan3A_92 = arith.constant 32 : i32
      %scan3A_93 = arith.addi %scan3A_91, %scan3A_92 : i32
      %scan3A_94 = arith.constant 1 : i32
      scf.for %scan3A_101 = %scan3A_91 to %scan3A_93 step %scan3A_94  : i32 {
        %mul3A_102 = arith.constant 20 : i32
        %mul3A_103 = arith.muli %scan3A_101, %mul3A_102 : i32
        %get3A = arith.index_cast %mul3A_103 : i32 to index
        %get3A_104 = arith.constant 0 : index
        %get3A_105 = tpu.vector_load %arg6[%get3A, %get3A_104] {strides = array<i32>} : memref<640x64xf32, #tpu.memory_space<vmem>>, vector<1x16xf32>,
        %get3A_106 = vector.shape_cast %get3A_105 : vector<1x16xf32> to vector<16xf32>
        %add3A_107 = arith.constant 1 : i32
        %add3A_108 = arith.addi %mul3A_103, %add3A_107 : i32
        %get3A_109 = arith.index_cast %add3A_108 : i32 to index
        %get3A_110 = arith.constant 0 : index
        %get3A_111 = tpu.vector_load %arg6[%get3A_109, %get3A_110] {strides = array<i32>} : memref<640x64xf32, #tpu.memory_space<vmem>>, vector<1x16xf32>,
        %get3A_112 = vector.shape_cast %get3A_111 : vector<1x16xf32> to vector<16xf32>
        %add3A_113 = arith.addf %get3A_106, %get3A_112 : vector<16xf32>
        %add3A_114 = arith.constant 2 : i32
        %add3A_115 = arith.addi %mul3A_103, %add3A_114 : i32
        %get3A_116 = arith.index_cast %add3A_115 : i32 to index
        %get3A_117 = arith.constant 0 : index
        %get3A_118 = tpu.vector_load %arg6[%get3A_116, %get3A_117] {strides = array<i32>} : memref<640x64xf32, #tpu.memory_space<vmem>>, vector<1x16xf32>,
        %get3A_119 = vector.shape_cast %get3A_118 : vector<1x16xf32> to vector<16xf32>
        %add3A_120 = arith.addf %add3A_113, %get3A_119 : vector<16xf32>
        %add3A_121 = arith.constant 3 : i32
        %add3A_122 = arith.addi %mul3A_103, %add3A_121 : i32
        %get3A_123 = arith.index_cast %add3A_122 : i32 to index
        %get3A_124 = arith.constant 0 : index
        %get3A_125 = tpu.vector_load %arg6[%get3A_123, %get3A_124] {strides = array<i32>} : memref<640x64xf32, #tpu.memory_space<vmem>>, vector<1x16xf32>,
        %get3A_126 = vector.shape_cast %get3A_125 : vector<1x16xf32> to vector<16xf32>
        %add3A_127 = arith.addf %add3A_120, %get3A_126 : vector<16xf32>
        %add3A_128 = arith.constant 4 : i32
        %add3A_129 = arith.addi %mul3A_103, %add3A_128 : i32
        %get3A_130 = arith.index_cast %add3A_129 : i32 to index
        %get3A_131 = arith.constant 0 : index
        %get3A_132 = tpu.vector_load %arg6[%get3A_130, %get3A_131] {strides = array<i32>} : memref<640x64xf32, #tpu.memory_space<vmem>>, vector<1x16xf32>,
        %get3A_133 = vector.shape_cast %get3A_132 : vector<1x16xf32> to vector<16xf32>
        %add3A_134 = arith.addf %add3A_127, %get3A_133 : vector<16xf32>
        %add3A_135 = arith.constant 5 : i32
        %add3A_136 = arith.addi %mul3A_103, %add3A_135 : i32
        %get3A_137 = arith.index_cast %add3A_136 : i32 to index
        %get3A_138 = arith.constant 0 : index
        %get3A_139 = tpu.vector_load %arg6[%get3A_137, %get3A_138] {strides = array<i32>} : memref<640x64xf32, #tpu.memory_space<vmem>>, vector<1x16xf32>,
        %get3A_140 = vector.shape_cast %get3A_139 : vector<1x16xf32> to vector<16xf32>
        %add3A_141 = arith.addf %add3A_134, %get3A_140 : vector<16xf32>
        %add3A_142 = arith.constant 6 : i32
        %add3A_143 = arith.addi %mul3A_103, %add3A_142 : i32
        %get3A_144 = arith.index_cast %add3A_143 : i32 to index
        %get3A_145 = arith.constant 0 : index
        %get3A_146 = tpu.vector_load %arg6[%get3A_144, %get3A_145] {strides = array<i32>} : memref<640x64xf32, #tpu.memory_space<vmem>>, vector<1x16xf32>,
        %get3A_147 = vector.shape_cast %get3A_146 : vector<1x16xf32> to vector<16xf32>
        %add3A_148 = arith.addf %add3A_141, %get3A_147 : vector<16xf32>
        %add3A_149 = arith.constant 7 : i32
        %add3A_150 = arith.addi %mul3A_103, %add3A_149 : i32
        %get3A_151 = arith.index_cast %add3A_150 : i32 to index
        %get3A_152 = arith.constant 0 : index
        %get3A_153 = tpu.vector_load %arg6[%get3A_151, %get3A_152] {strides = array<i32>} : memref<640x64xf32, #tpu.memory_space<vmem>>, vector<1x16xf32>,
        %get3A_154 = vector.shape_cast %get3A_153 : vector<1x16xf32> to vector<16xf32>
        %add3A_155 = arith.addf %add3A_148, %get3A_154 : vector<16xf32>
        %add3A_156 = arith.constant 8 : i32
        %add3A_157 = arith.addi %mul3A_103, %add3A_156 : i32
        %get3A_158 = arith.index_cast %add3A_157 : i32 to index
        %get3A_159 = arith.constant 0 : index
        %get3A_160 = tpu.vector_load %arg6[%get3A_158, %get3A_159] {strides = array<i32>} : memref<640x64xf32, #tpu.memory_space<vmem>>, vector<1x16xf32>,
        %get3A_161 = vector.shape_cast %get3A_160 : vector<1x16xf32> to vector<16xf32>
        %add3A_162 = arith.addf %add3A_155, %get3A_161 : vector<16xf32>
        %add3A_163 = arith.constant 9 : i32
        %add3A_164 = arith.addi %mul3A_103, %add3A_163 : i32
        %get3A_165 = arith.index_cast %add3A_164 : i32 to index
        %get3A_166 = arith.constant 0 : index
        %get3A_167 = tpu.vector_load %arg6[%get3A_165, %get3A_166] {strides = array<i32>} : memref<640x64xf32, #tpu.memory_space<vmem>>, vector<1x16xf32>,
        %get3A_168 = vector.shape_cast %get3A_167 : vector<1x16xf32> to vector<16xf32>
        %add3A_169 = arith.addf %add3A_162, %get3A_168 : vector<16xf32>
        %add3A_170 = arith.constant 10 : i32
        %add3A_171 = arith.addi %mul3A_103, %add3A_170 : i32
        %get3A_172 = arith.index_cast %add3A_171 : i32 to index
        %get3A_173 = arith.constant 0 : index
        %get3A_174 = tpu.vector_load %arg6[%get3A_172, %get3A_173] {strides = array<i32>} : memref<640x64xf32, #tpu.memory_space<vmem>>, vector<1x16xf32>,
        %get3A_175 = vector.shape_cast %get3A_174 : vector<1x16xf32> to vector<16xf32>
        %add3A_176 = arith.addf %add3A_169, %get3A_175 : vector<16xf32>
        %add3A_177 = arith.constant 11 : i32
        %add3A_178 = arith.addi %mul3A_103, %add3A_177 : i32
        %get3A_179 = arith.index_cast %add3A_178 : i32 to index
        %get3A_180 = arith.constant 0 : index
        %get3A_181 = tpu.vector_load %arg6[%get3A_179, %get3A_180] {strides = array<i32>} : memref<640x64xf32, #tpu.memory_space<vmem>>, vector<1x16xf32>,
        %get3A_182 = vector.shape_cast %get3A_181 : vector<1x16xf32> to vector<16xf32>
        %add3A_183 = arith.addf %add3A_176, %get3A_182 : vector<16xf32>
        %add3A_184 = arith.constant 12 : i32
        %add3A_185 = arith.addi %mul3A_103, %add3A_184 : i32
        %get3A_186 = arith.index_cast %add3A_185 : i32 to index
        %get3A_187 = arith.constant 0 : index
        %get3A_188 = tpu.vector_load %arg6[%get3A_186, %get3A_187] {strides = array<i32>} : memref<640x64xf32, #tpu.memory_space<vmem>>, vector<1x16xf32>,
        %get3A_189 = vector.shape_cast %get3A_188 : vector<1x16xf32> to vector<16xf32>
        %add3A_190 = arith.addf %add3A_183, %get3A_189 : vector<16xf32>
        %add3A_191 = arith.constant 13 : i32
        %add3A_192 = arith.addi %mul3A_103, %add3A_191 : i32
        %get3A_193 = arith.index_cast %add3A_192 : i32 to index
        %get3A_194 = arith.constant 0 : index
        %get3A_195 = tpu.vector_load %arg6[%get3A_193, %get3A_194] {strides = array<i32>} : memref<640x64xf32, #tpu.memory_space<vmem>>, vector<1x16xf32>,
        %get3A_196 = vector.shape_cast %get3A_195 : vector<1x16xf32> to vector<16xf32>
        %add3A_197 = arith.addf %add3A_190, %get3A_196 : vector<16xf32>
        %add3A_198 = arith.constant 14 : i32
        %add3A_199 = arith.addi %mul3A_103, %add3A_198 : i32
        %get3A_200 = arith.index_cast %add3A_199 : i32 to index
        %get3A_201 = arith.constant 0 : index
        %get3A_202 = tpu.vector_load %arg6[%get3A_200, %get3A_201] {strides = array<i32>} : memref<640x64xf32, #tpu.memory_space<vmem>>, vector<1x16xf32>,
        %get3A_203 = vector.shape_cast %get3A_202 : vector<1x16xf32> to vector<16xf32>
        %add3A_204 = arith.addf %add3A_197, %get3A_203 : vector<16xf32>
        %add3A_205 = arith.constant 15 : i32
        %add3A_206 = arith.addi %mul3A_103, %add3A_205 : i32
        %get3A_207 = arith.index_cast %add3A_206 : i32 to index
        %get3A_208 = arith.constant 0 : index
        %get3A_209 = tpu.vector_load %arg6[%get3A_207, %get3A_208] {strides = array<i32>} : memref<640x64xf32, #tpu.memory_space<vmem>>, vector<1x16xf32>,
        %get3A_210 = vector.shape_cast %get3A_209 : vector<1x16xf32> to vector<16xf32>
        %add3A_211 = arith.addf %add3A_204, %get3A_210 : vector<16xf32>
        %add3A_212 = arith.constant 16 : i32
        %add3A_213 = arith.addi %mul3A_103, %add3A_212 : i32
        %get3A_214 = arith.index_cast %add3A_213 : i32 to index
        %get3A_215 = arith.constant 0 : index
        %get3A_216 = tpu.vector_load %arg6[%get3A_214, %get3A_215] {strides = array<i32>} : memref<640x64xf32, #tpu.memory_space<vmem>>, vector<1x16xf32>,
        %get3A_217 = vector.shape_cast %get3A_216 : vector<1x16xf32> to vector<16xf32>
        %add3A_218 = arith.addf %add3A_211, %get3A_217 : vector<16xf32>
        %add3A_219 = arith.constant 17 : i32
        %add3A_220 = arith.addi %mul3A_103, %add3A_219 : i32
        %get3A_221 = arith.index_cast %add3A_220 : i32 to index
        %get3A_222 = arith.constant 0 : index
        %get3A_223 = tpu.vector_load %arg6[%get3A_221, %get3A_222] {strides = array<i32>} : memref<640x64xf32, #tpu.memory_space<vmem>>, vector<1x16xf32>,
        %get3A_224 = vector.shape_cast %get3A_223 : vector<1x16xf32> to vector<16xf32>
        %add3A_225 = arith.addf %add3A_218, %get3A_224 : vector<16xf32>
        %add3A_226 = arith.constant 18 : i32
        %add3A_227 = arith.addi %mul3A_103, %add3A_226 : i32
        %get3A_228 = arith.index_cast %add3A_227 : i32 to index
        %get3A_229 = arith.constant 0 : index
        %get3A_230 = tpu.vector_load %arg6[%get3A_228, %get3A_229] {strides = array<i32>} : memref<640x64xf32, #tpu.memory_space<vmem>>, vector<1x16xf32>,
        %get3A_231 = vector.shape_cast %get3A_230 : vector<1x16xf32> to vector<16xf32>
        %add3A_232 = arith.addf %add3A_225, %get3A_231 : vector<16xf32>
        %add3A_233 = arith.constant 19 : i32
        %add3A_234 = arith.addi %mul3A_103, %add3A_233 : i32
        %get3A_235 = arith.index_cast %add3A_234 : i32 to index
        %get3A_236 = arith.constant 0 : index
        %get3A_237 = tpu.vector_load %arg6[%get3A_235, %get3A_236] {strides = array<i32>} : memref<640x64xf32, #tpu.memory_space<vmem>>, vector<1x16xf32>,
        %get3A_238 = vector.shape_cast %get3A_237 : vector<1x16xf32> to vector<16xf32>
        %add3A_239 = arith.addf %add3A_232, %get3A_238 : vector<16xf32>
        %mul3A_240 = arith.constant 5.000000e-02 : f32
        %mul3A_241 = vector.broadcast %mul3A_240 : f32 to vector<16xf32>
        %mul3A_242 = arith.mulf %add3A_239, %mul3A_241 : vector<16xf32>
        %swap3A = arith.index_cast %scan3A_101 : i32 to index
        %swap3A_243 = arith.constant 0 : index
        %swap3A_244 = tpu.vector_load %arg7[%swap3A, %swap3A_243] {strides = array<i32>} : memref<32x64xf32, #tpu.memory_space<vmem>>, vector<1x16xf32>,
        %swap3A_245 = vector.shape_cast %swap3A_244 : vector<1x16xf32> to vector<16xf32>
        %swap3A_246 = vector.shape_cast %mul3A_242 : vector<16xf32> to vector<1x16xf32>
        tpu.vector_store %arg7[%swap3A, %swap3A_243], %swap3A_246 {strides = array<i32>} : memref<32x64xf32, #tpu.memory_space<vmem>>, vector<1x16xf32>,
        %get3A_247 = arith.index_cast %mul3A_103 : i32 to index
        %get3A_248 = arith.constant 16 : index
        %get3A_249 = tpu.vector_load %arg6[%get3A_247, %get3A_248] {strides = array<i32>} : memref<640x64xf32, #tpu.memory_space<vmem>>, vector<1x16xf32>,
        %get3A_250 = vector.shape_cast %get3A_249 : vector<1x16xf32> to vector<16xf32>
        %add3A_251 = arith.constant 1 : i32
        %add3A_252 = arith.addi %mul3A_103, %add3A_251 : i32
        %get3A_253 = arith.index_cast %add3A_252 : i32 to index
        %get3A_254 = arith.constant 16 : index
        %get3A_255 = tpu.vector_load %arg6[%get3A_253, %get3A_254] {strides = array<i32>} : memref<640x64xf32, #tpu.memory_space<vmem>>, vector<1x16xf32>,
        %get3A_256 = vector.shape_cast %get3A_255 : vector<1x16xf32> to vector<16xf32>
        %add3A_257 = arith.addf %get3A_250, %get3A_256 : vector<16xf32>
        %add3A_258 = arith.constant 2 : i32
        %add3A_259 = arith.addi %mul3A_103, %add3A_258 : i32
        %get3A_260 = arith.index_cast %add3A_259 : i32 to index
        %get3A_261 = arith.constant 16 : index
        %get3A_262 = tpu.vector_load %arg6[%get3A_260, %get3A_261] {strides = array<i32>} : memref<640x64xf32, #tpu.memory_space<vmem>>, vector<1x16xf32>,
        %get3A_263 = vector.shape_cast %get3A_262 : vector<1x16xf32> to vector<16xf32>
        %add3A_264 = arith.addf %add3A_257, %get3A_263 : vector<16xf32>
        %add3A_265 = arith.constant 3 : i32
        %add3A_266 = arith.addi %mul3A_103, %add3A_265 : i32
        %get3A_267 = arith.index_cast %add3A_266 : i32 to index
        %get3A_268 = arith.constant 16 : index
        %get3A_269 = tpu.vector_load %arg6[%get3A_267, %get3A_268] {strides = array<i32>} : memref<640x64xf32, #tpu.memory_space<vmem>>, vector<1x16xf32>,
        %get3A_270 = vector.shape_cast %get3A_269 : vector<1x16xf32> to vector<16xf32>
        %add3A_271 = arith.addf %add3A_264, %get3A_270 : vector<16xf32>
        %add3A_272 = arith.constant 4 : i32
        %add3A_273 = arith.addi %mul3A_103, %add3A_272 : i32
        %get3A_274 = arith.index_cast %add3A_273 : i32 to index
        %get3A_275 = arith.constant 16 : index
        %get3A_276 = tpu.vector_load %arg6[%get3A_274, %get3A_275] {strides = array<i32>} : memref<640x64xf32, #tpu.memory_space<vmem>>, vector<1x16xf32>,
        %get3A_277 = vector.shape_cast %get3A_276 : vector<1x16xf32> to vector<16xf32>
        %add3A_278 = arith.addf %add3A_271, %get3A_277 : vector<16xf32>
        %add3A_279 = arith.constant 5 : i32
        %add3A_280 = arith.addi %mul3A_103, %add3A_279 : i32
        %get3A_281 = arith.index_cast %add3A_280 : i32 to index
        %get3A_282 = arith.constant 16 : index
        %get3A_283 = tpu.vector_load %arg6[%get3A_281, %get3A_282] {strides = array<i32>} : memref<640x64xf32, #tpu.memory_space<vmem>>, vector<1x16xf32>,
        %get3A_284 = vector.shape_cast %get3A_283 : vector<1x16xf32> to vector<16xf32>
        %add3A_285 = arith.addf %add3A_278, %get3A_284 : vector<16xf32>
        %add3A_286 = arith.constant 6 : i32
        %add3A_287 = arith.addi %mul3A_103, %add3A_286 : i32
        %get3A_288 = arith.index_cast %add3A_287 : i32 to index
        %get3A_289 = arith.constant 16 : index
        %get3A_290 = tpu.vector_load %arg6[%get3A_288, %get3A_289] {strides = array<i32>} : memref<640x64xf32, #tpu.memory_space<vmem>>, vector<1x16xf32>,
        %get3A_291 = vector.shape_cast %get3A_290 : vector<1x16xf32> to vector<16xf32>
        %add3A_292 = arith.addf %add3A_285, %get3A_291 : vector<16xf32>
        %add3A_293 = arith.constant 7 : i32
        %add3A_294 = arith.addi %mul3A_103, %add3A_293 : i32
        %get3A_295 = arith.index_cast %add3A_294 : i32 to index
        %get3A_296 = arith.constant 16 : index
        %get3A_297 = tpu.vector_load %arg6[%get3A_295, %get3A_296] {strides = array<i32>} : memref<640x64xf32, #tpu.memory_space<vmem>>, vector<1x16xf32>,
        %get3A_298 = vector.shape_cast %get3A_297 : vector<1x16xf32> to vector<16xf32>
        %add3A_299 = arith.addf %add3A_292, %get3A_298 : vector<16xf32>
        %add3A_300 = arith.constant 8 : i32
        %add3A_301 = arith.addi %mul3A_103, %add3A_300 : i32
        %get3A_302 = arith.index_cast %add3A_301 : i32 to index
        %get3A_303 = arith.constant 16 : index
        %get3A_304 = tpu.vector_load %arg6[%get3A_302, %get3A_303] {strides = array<i32>} : memref<640x64xf32, #tpu.memory_space<vmem>>, vector<1x16xf32>,
        %get3A_305 = vector.shape_cast %get3A_304 : vector<1x16xf32> to vector<16xf32>
        %add3A_306 = arith.addf %add3A_299, %get3A_305 : vector<16xf32>
        %add3A_307 = arith.constant 9 : i32
        %add3A_308 = arith.addi %mul3A_103, %add3A_307 : i32
        %get3A_309 = arith.index_cast %add3A_308 : i32 to index
        %get3A_310 = arith.constant 16 : index
        %get3A_311 = tpu.vector_load %arg6[%get3A_309, %get3A_310] {strides = array<i32>} : memref<640x64xf32, #tpu.memory_space<vmem>>, vector<1x16xf32>,
        %get3A_312 = vector.shape_cast %get3A_311 : vector<1x16xf32> to vector<16xf32>
        %add3A_313 = arith.addf %add3A_306, %get3A_312 : vector<16xf32>
        %add3A_314 = arith.constant 10 : i32
        %add3A_315 = arith.addi %mul3A_103, %add3A_314 : i32
        %get3A_316 = arith.index_cast %add3A_315 : i32 to index
        %get3A_317 = arith.constant 16 : index
        %get3A_318 = tpu.vector_load %arg6[%get3A_316, %get3A_317] {strides = array<i32>} : memref<640x64xf32, #tpu.memory_space<vmem>>, vector<1x16xf32>,
        %get3A_319 = vector.shape_cast %get3A_318 : vector<1x16xf32> to vector<16xf32>
        %add3A_320 = arith.addf %add3A_313, %get3A_319 : vector<16xf32>
        %add3A_321 = arith.constant 11 : i32
        %add3A_322 = arith.addi %mul3A_103, %add3A_321 : i32
        %get3A_323 = arith.index_cast %add3A_322 : i32 to index
        %get3A_324 = arith.constant 16 : index
        %get3A_325 = tpu.vector_load %arg6[%get3A_323, %get3A_324] {strides = array<i32>} : memref<640x64xf32, #tpu.memory_space<vmem>>, vector<1x16xf32>,
        %get3A_326 = vector.shape_cast %get3A_325 : vector<1x16xf32> to vector<16xf32>
        %add3A_327 = arith.addf %add3A_320, %get3A_326 : vector<16xf32>
        %add3A_328 = arith.constant 12 : i32
        %add3A_329 = arith.addi %mul3A_103, %add3A_328 : i32
        %get3A_330 = arith.index_cast %add3A_329 : i32 to index
        %get3A_331 = arith.constant 16 : index
        %get3A_332 = tpu.vector_load %arg6[%get3A_330, %get3A_331] {strides = array<i32>} : memref<640x64xf32, #tpu.memory_space<vmem>>, vector<1x16xf32>,
        %get3A_333 = vector.shape_cast %get3A_332 : vector<1x16xf32> to vector<16xf32>
        %add3A_334 = arith.addf %add3A_327, %get3A_333 : vector<16xf32>
        %add3A_335 = arith.constant 13 : i32
        %add3A_336 = arith.addi %mul3A_103, %add3A_335 : i32
        %get3A_337 = arith.index_cast %add3A_336 : i32 to index
        %get3A_338 = arith.constant 16 : index
        %get3A_339 = tpu.vector_load %arg6[%get3A_337, %get3A_338] {strides = array<i32>} : memref<640x64xf32, #tpu.memory_space<vmem>>, vector<1x16xf32>,
        %get3A_340 = vector.shape_cast %get3A_339 : vector<1x16xf32> to vector<16xf32>
        %add3A_341 = arith.addf %add3A_334, %get3A_340 : vector<16xf32>
        %add3A_342 = arith.constant 14 : i32
        %add3A_343 = arith.addi %mul3A_103, %add3A_342 : i32
        %get3A_344 = arith.index_cast %add3A_343 : i32 to index
        %get3A_345 = arith.constant 16 : index
        %get3A_346 = tpu.vector_load %arg6[%get3A_344, %get3A_345] {strides = array<i32>} : memref<640x64xf32, #tpu.memory_space<vmem>>, vector<1x16xf32>,
        %get3A_347 = vector.shape_cast %get3A_346 : vector<1x16xf32> to vector<16xf32>
        %add3A_348 = arith.addf %add3A_341, %get3A_347 : vector<16xf32>
        %add3A_349 = arith.constant 15 : i32
        %add3A_350 = arith.addi %mul3A_103, %add3A_349 : i32
        %get3A_351 = arith.index_cast %add3A_350 : i32 to index
        %get3A_352 = arith.constant 16 : index
        %get3A_353 = tpu.vector_load %arg6[%get3A_351, %get3A_352] {strides = array<i32>} : memref<640x64xf32, #tpu.memory_space<vmem>>, vector<1x16xf32>,
        %get3A_354 = vector.shape_cast %get3A_353 : vector<1x16xf32> to vector<16xf32>
        %add3A_355 = arith.addf %add3A_348, %get3A_354 : vector<16xf32>
        %add3A_356 = arith.constant 16 : i32
        %add3A_357 = arith.addi %mul3A_103, %add3A_356 : i32
        %get3A_358 = arith.index_cast %add3A_357 : i32 to index
        %get3A_359 = arith.constant 16 : index
        %get3A_360 = tpu.vector_load %arg6[%get3A_358, %get3A_359] {strides = array<i32>} : memref<640x64xf32, #tpu.memory_space<vmem>>, vector<1x16xf32>,
        %get3A_361 = vector.shape_cast %get3A_360 : vector<1x16xf32> to vector<16xf32>
        %add3A_362 = arith.addf %add3A_355, %get3A_361 : vector<16xf32>
        %add3A_363 = arith.constant 17 : i32
        %add3A_364 = arith.addi %mul3A_103, %add3A_363 : i32
        %get3A_365 = arith.index_cast %add3A_364 : i32 to index
        %get3A_366 = arith.constant 16 : index
        %get3A_367 = tpu.vector_load %arg6[%get3A_365, %get3A_366] {strides = array<i32>} : memref<640x64xf32, #tpu.memory_space<vmem>>, vector<1x16xf32>,
        %get3A_368 = vector.shape_cast %get3A_367 : vector<1x16xf32> to vector<16xf32>
        %add3A_369 = arith.addf %add3A_362, %get3A_368 : vector<16xf32>
        %add3A_370 = arith.constant 18 : i32
        %add3A_371 = arith.addi %mul3A_103, %add3A_370 : i32
        %get3A_372 = arith.index_cast %add3A_371 : i32 to index
        %get3A_373 = arith.constant 16 : index
        %get3A_374 = tpu.vector_load %arg6[%get3A_372, %get3A_373] {strides = array<i32>} : memref<640x64xf32, #tpu.memory_space<vmem>>, vector<1x16xf32>,
        %get3A_375 = vector.shape_cast %get3A_374 : vector<1x16xf32> to vector<16xf32>
        %add3A_376 = arith.addf %add3A_369, %get3A_375 : vector<16xf32>
        %add3A_377 = arith.constant 19 : i32
        %add3A_378 = arith.addi %mul3A_103, %add3A_377 : i32
        %get3A_379 = arith.index_cast %add3A_378 : i32 to index
        %get3A_380 = arith.constant 16 : index
        %get3A_381 = tpu.vector_load %arg6[%get3A_379, %get3A_380] {strides = array<i32>} : memref<640x64xf32, #tpu.memory_space<vmem>>, vector<1x16xf32>,
        %get3A_382 = vector.shape_cast %get3A_381 : vector<1x16xf32> to vector<16xf32>
        %add3A_383 = arith.addf %add3A_376, %get3A_382 : vector<16xf32>
        %mul3A_384 = arith.constant 5.000000e-02 : f32
        %mul3A_385 = vector.broadcast %mul3A_384 : f32 to vector<16xf32>
        %mul3A_386 = arith.mulf %add3A_383, %mul3A_385 : vector<16xf32>
        %swap3A_387 = arith.index_cast %scan3A_101 : i32 to index
        %swap3A_388 = arith.constant 16 : index
        %swap3A_389 = tpu.vector_load %arg7[%swap3A_387, %swap3A_388] {strides = array<i32>} : memref<32x64xf32, #tpu.memory_space<vmem>>, vector<1x16xf32>,
        %swap3A_390 = vector.shape_cast %swap3A_389 : vector<1x16xf32> to vector<16xf32>
        %swap3A_391 = vector.shape_cast %mul3A_386 : vector<16xf32> to vector<1x16xf32>
        tpu.vector_store %arg7[%swap3A_387, %swap3A_388], %swap3A_391 {strides = array<i32>} : memref<32x64xf32, #tpu.memory_space<vmem>>, vector<1x16xf32>,
        %get3A_392 = arith.index_cast %mul3A_103 : i32 to index
        %get3A_393 = arith.constant 32 : index
        %get3A_394 = tpu.vector_load %arg6[%get3A_392, %get3A_393] {strides = array<i32>} : memref<640x64xf32, #tpu.memory_space<vmem>>, vector<1x16xf32>,
        %get3A_395 = vector.shape_cast %get3A_394 : vector<1x16xf32> to vector<16xf32>
        %add3A_396 = arith.constant 1 : i32
        %add3A_397 = arith.addi %mul3A_103, %add3A_396 : i32
        %get3A_398 = arith.index_cast %add3A_397 : i32 to index
        %get3A_399 = arith.constant 32 : index
        %get3A_400 = tpu.vector_load %arg6[%get3A_398, %get3A_399] {strides = array<i32>} : memref<640x64xf32, #tpu.memory_space<vmem>>, vector<1x16xf32>,
        %get3A_401 = vector.shape_cast %get3A_400 : vector<1x16xf32> to vector<16xf32>
        %add3A_402 = arith.addf %get3A_395, %get3A_401 : vector<16xf32>
        %add3A_403 = arith.constant 2 : i32
        %add3A_404 = arith.addi %mul3A_103, %add3A_403 : i32
        %get3A_405 = arith.index_cast %add3A_404 : i32 to index
        %get3A_406 = arith.constant 32 : index
        %get3A_407 = tpu.vector_load %arg6[%get3A_405, %get3A_406] {strides = array<i32>} : memref<640x64xf32, #tpu.memory_space<vmem>>, vector<1x16xf32>,
        %get3A_408 = vector.shape_cast %get3A_407 : vector<1x16xf32> to vector<16xf32>
        %add3A_409 = arith.addf %add3A_402, %get3A_408 : vector<16xf32>
        %add3A_410 = arith.constant 3 : i32
        %add3A_411 = arith.addi %mul3A_103, %add3A_410 : i32
        %get3A_412 = arith.index_cast %add3A_411 : i32 to index
        %get3A_413 = arith.constant 32 : index
        %get3A_414 = tpu.vector_load %arg6[%get3A_412, %get3A_413] {strides = array<i32>} : memref<640x64xf32, #tpu.memory_space<vmem>>, vector<1x16xf32>,
        %get3A_415 = vector.shape_cast %get3A_414 : vector<1x16xf32> to vector<16xf32>
        %add3A_416 = arith.addf %add3A_409, %get3A_415 : vector<16xf32>
        %add3A_417 = arith.constant 4 : i32
        %add3A_418 = arith.addi %mul3A_103, %add3A_417 : i32
        %get3A_419 = arith.index_cast %add3A_418 : i32 to index
        %get3A_420 = arith.constant 32 : index
        %get3A_421 = tpu.vector_load %arg6[%get3A_419, %get3A_420] {strides = array<i32>} : memref<640x64xf32, #tpu.memory_space<vmem>>, vector<1x16xf32>,
        %get3A_422 = vector.shape_cast %get3A_421 : vector<1x16xf32> to vector<16xf32>
        %add3A_423 = arith.addf %add3A_416, %get3A_422 : vector<16xf32>
        %add3A_424 = arith.constant 5 : i32
        %add3A_425 = arith.addi %mul3A_103, %add3A_424 : i32
        %get3A_426 = arith.index_cast %add3A_425 : i32 to index
        %get3A_427 = arith.constant 32 : index
        %get3A_428 = tpu.vector_load %arg6[%get3A_426, %get3A_427] {strides = array<i32>} : memref<640x64xf32, #tpu.memory_space<vmem>>, vector<1x16xf32>,
        %get3A_429 = vector.shape_cast %get3A_428 : vector<1x16xf32> to vector<16xf32>
        %add3A_430 = arith.addf %add3A_423, %get3A_429 : vector<16xf32>
        %add3A_431 = arith.constant 6 : i32
        %add3A_432 = arith.addi %mul3A_103, %add3A_431 : i32
        %get3A_433 = arith.index_cast %add3A_432 : i32 to index
        %get3A_434 = arith.constant 32 : index
        %get3A_435 = tpu.vector_load %arg6[%get3A_433, %get3A_434] {strides = array<i32>} : memref<640x64xf32, #tpu.memory_space<vmem>>, vector<1x16xf32>,
        %get3A_436 = vector.shape_cast %get3A_435 : vector<1x16xf32> to vector<16xf32>
        %add3A_437 = arith.addf %add3A_430, %get3A_436 : vector<16xf32>
        %add3A_438 = arith.constant 7 : i32
        %add3A_439 = arith.addi %mul3A_103, %add3A_438 : i32
        %get3A_440 = arith.index_cast %add3A_439 : i32 to index
        %get3A_441 = arith.constant 32 : index
        %get3A_442 = tpu.vector_load %arg6[%get3A_440, %get3A_441] {strides = array<i32>} : memref<640x64xf32, #tpu.memory_space<vmem>>, vector<1x16xf32>,
        %get3A_443 = vector.shape_cast %get3A_442 : vector<1x16xf32> to vector<16xf32>
        %add3A_444 = arith.addf %add3A_437, %get3A_443 : vector<16xf32>
        %add3A_445 = arith.constant 8 : i32
        %add3A_446 = arith.addi %mul3A_103, %add3A_445 : i32
        %get3A_447 = arith.index_cast %add3A_446 : i32 to index
        %get3A_448 = arith.constant 32 : index
        %get3A_449 = tpu.vector_load %arg6[%get3A_447, %get3A_448] {strides = array<i32>} : memref<640x64xf32, #tpu.memory_space<vmem>>, vector<1x16xf32>,
        %get3A_450 = vector.shape_cast %get3A_449 : vector<1x16xf32> to vector<16xf32>
        %add3A_451 = arith.addf %add3A_444, %get3A_450 : vector<16xf32>
        %add3A_452 = arith.constant 9 : i32
        %add3A_453 = arith.addi %mul3A_103, %add3A_452 : i32
        %get3A_454 = arith.index_cast %add3A_453 : i32 to index
        %get3A_455 = arith.constant 32 : index
        %get3A_456 = tpu.vector_load %arg6[%get3A_454, %get3A_455] {strides = array<i32>} : memref<640x64xf32, #tpu.memory_space<vmem>>, vector<1x16xf32>,
        %get3A_457 = vector.shape_cast %get3A_456 : vector<1x16xf32> to vector<16xf32>
        %add3A_458 = arith.addf %add3A_451, %get3A_457 : vector<16xf32>
        %add3A_459 = arith.constant 10 : i32
        %add3A_460 = arith.addi %mul3A_103, %add3A_459 : i32
        %get3A_461 = arith.index_cast %add3A_460 : i32 to index
        %get3A_462 = arith.constant 32 : index
        %get3A_463 = tpu.vector_load %arg6[%get3A_461, %get3A_462] {strides = array<i32>} : memref<640x64xf32, #tpu.memory_space<vmem>>, vector<1x16xf32>,
        %get3A_464 = vector.shape_cast %get3A_463 : vector<1x16xf32> to vector<16xf32>
        %add3A_465 = arith.addf %add3A_458, %get3A_464 : vector<16xf32>
        %add3A_466 = arith.constant 11 : i32
        %add3A_467 = arith.addi %mul3A_103, %add3A_466 : i32
        %get3A_468 = arith.index_cast %add3A_467 : i32 to index
        %get3A_469 = arith.constant 32 : index
        %get3A_470 = tpu.vector_load %arg6[%get3A_468, %get3A_469] {strides = array<i32>} : memref<640x64xf32, #tpu.memory_space<vmem>>, vector<1x16xf32>,
        %get3A_471 = vector.shape_cast %get3A_470 : vector<1x16xf32> to vector<16xf32>
        %add3A_472 = arith.addf %add3A_465, %get3A_471 : vector<16xf32>
        %add3A_473 = arith.constant 12 : i32
        %add3A_474 = arith.addi %mul3A_103, %add3A_473 : i32
        %get3A_475 = arith.index_cast %add3A_474 : i32 to index
        %get3A_476 = arith.constant 32 : index
        %get3A_477 = tpu.vector_load %arg6[%get3A_475, %get3A_476] {strides = array<i32>} : memref<640x64xf32, #tpu.memory_space<vmem>>, vector<1x16xf32>,
        %get3A_478 = vector.shape_cast %get3A_477 : vector<1x16xf32> to vector<16xf32>
        %add3A_479 = arith.addf %add3A_472, %get3A_478 : vector<16xf32>
        %add3A_480 = arith.constant 13 : i32
        %add3A_481 = arith.addi %mul3A_103, %add3A_480 : i32
        %get3A_482 = arith.index_cast %add3A_481 : i32 to index
        %get3A_483 = arith.constant 32 : index
        %get3A_484 = tpu.vector_load %arg6[%get3A_482, %get3A_483] {strides = array<i32>} : memref<640x64xf32, #tpu.memory_space<vmem>>, vector<1x16xf32>,
        %get3A_485 = vector.shape_cast %get3A_484 : vector<1x16xf32> to vector<16xf32>
        %add3A_486 = arith.addf %add3A_479, %get3A_485 : vector<16xf32>
        %add3A_487 = arith.constant 14 : i32
        %add3A_488 = arith.addi %mul3A_103, %add3A_487 : i32
        %get3A_489 = arith.index_cast %add3A_488 : i32 to index
        %get3A_490 = arith.constant 32 : index
        %get3A_491 = tpu.vector_load %arg6[%get3A_489, %get3A_490] {strides = array<i32>} : memref<640x64xf32, #tpu.memory_space<vmem>>, vector<1x16xf32>,
        %get3A_492 = vector.shape_cast %get3A_491 : vector<1x16xf32> to vector<16xf32>
        %add3A_493 = arith.addf %add3A_486, %get3A_492 : vector<16xf32>
        %add3A_494 = arith.constant 15 : i32
        %add3A_495 = arith.addi %mul3A_103, %add3A_494 : i32
        %get3A_496 = arith.index_cast %add3A_495 : i32 to index
        %get3A_497 = arith.constant 32 : index
        %get3A_498 = tpu.vector_load %arg6[%get3A_496, %get3A_497] {strides = array<i32>} : memref<640x64xf32, #tpu.memory_space<vmem>>, vector<1x16xf32>,
        %get3A_499 = vector.shape_cast %get3A_498 : vector<1x16xf32> to vector<16xf32>
        %add3A_500 = arith.addf %add3A_493, %get3A_499 : vector<16xf32>
        %add3A_501 = arith.constant 16 : i32
        %add3A_502 = arith.addi %mul3A_103, %add3A_501 : i32
        %get3A_503 = arith.index_cast %add3A_502 : i32 to index
        %get3A_504 = arith.constant 32 : index
        %get3A_505 = tpu.vector_load %arg6[%get3A_503, %get3A_504] {strides = array<i32>} : memref<640x64xf32, #tpu.memory_space<vmem>>, vector<1x16xf32>,
        %get3A_506 = vector.shape_cast %get3A_505 : vector<1x16xf32> to vector<16xf32>
        %add3A_507 = arith.addf %add3A_500, %get3A_506 : vector<16xf32>
        %add3A_508 = arith.constant 17 : i32
        %add3A_509 = arith.addi %mul3A_103, %add3A_508 : i32
        %get3A_510 = arith.index_cast %add3A_509 : i32 to index
        %get3A_511 = arith.constant 32 : index
        %get3A_512 = tpu.vector_load %arg6[%get3A_510, %get3A_511] {strides = array<i32>} : memref<640x64xf32, #tpu.memory_space<vmem>>, vector<1x16xf32>,
        %get3A_513 = vector.shape_cast %get3A_512 : vector<1x16xf32> to vector<16xf32>
        %add3A_514 = arith.addf %add3A_507, %get3A_513 : vector<16xf32>
        %add3A_515 = arith.constant 18 : i32
        %add3A_516 = arith.addi %mul3A_103, %add3A_515 : i32
        %get3A_517 = arith.index_cast %add3A_516 : i32 to index
        %get3A_518 = arith.constant 32 : index
        %get3A_519 = tpu.vector_load %arg6[%get3A_517, %get3A_518] {strides = array<i32>} : memref<640x64xf32, #tpu.memory_space<vmem>>, vector<1x16xf32>,
        %get3A_520 = vector.shape_cast %get3A_519 : vector<1x16xf32> to vector<16xf32>
        %add3A_521 = arith.addf %add3A_514, %get3A_520 : vector<16xf32>
        %add3A_522 = arith.constant 19 : i32
        %add3A_523 = arith.addi %mul3A_103, %add3A_522 : i32
        %get3A_524 = arith.index_cast %add3A_523 : i32 to index
        %get3A_525 = arith.constant 32 : index
        %get3A_526 = tpu.vector_load %arg6[%get3A_524, %get3A_525] {strides = array<i32>} : memref<640x64xf32, #tpu.memory_space<vmem>>, vector<1x16xf32>,
        %get3A_527 = vector.shape_cast %get3A_526 : vector<1x16xf32> to vector<16xf32>
        %add3A_528 = arith.addf %add3A_521, %get3A_527 : vector<16xf32>
        %mul3A_529 = arith.constant 5.000000e-02 : f32
        %mul3A_530 = vector.broadcast %mul3A_529 : f32 to vector<16xf32>
        %mul3A_531 = arith.mulf %add3A_528, %mul3A_530 : vector<16xf32>
        %swap3A_532 = arith.index_cast %scan3A_101 : i32 to index
        %swap3A_533 = arith.constant 32 : index
        %swap3A_534 = tpu.vector_load %arg7[%swap3A_532, %swap3A_533] {strides = array<i32>} : memref<32x64xf32, #tpu.memory_space<vmem>>, vector<1x16xf32>,
        %swap3A_535 = vector.shape_cast %swap3A_534 : vector<1x16xf32> to vector<16xf32>
        %swap3A_536 = vector.shape_cast %mul3A_531 : vector<16xf32> to vector<1x16xf32>
        tpu.vector_store %arg7[%swap3A_532, %swap3A_533], %swap3A_536 {strides = array<i32>} : memref<32x64xf32, #tpu.memory_space<vmem>>, vector<1x16xf32>,
        %get3A_537 = arith.index_cast %mul3A_103 : i32 to index
        %get3A_538 = arith.constant 48 : index
        %get3A_539 = tpu.vector_load %arg6[%get3A_537, %get3A_538] {strides = array<i32>} : memref<640x64xf32, #tpu.memory_space<vmem>>, vector<1x16xf32>,
        %get3A_540 = vector.shape_cast %get3A_539 : vector<1x16xf32> to vector<16xf32>
        %add3A_541 = arith.constant 1 : i32
        %add3A_542 = arith.addi %mul3A_103, %add3A_541 : i32
        %get3A_543 = arith.index_cast %add3A_542 : i32 to index
        %get3A_544 = arith.constant 48 : index
        %get3A_545 = tpu.vector_load %arg6[%get3A_543, %get3A_544] {strides = array<i32>} : memref<640x64xf32, #tpu.memory_space<vmem>>, vector<1x16xf32>,
        %get3A_546 = vector.shape_cast %get3A_545 : vector<1x16xf32> to vector<16xf32>
        %add3A_547 = arith.addf %get3A_540, %get3A_546 : vector<16xf32>
        %add3A_548 = arith.constant 2 : i32
        %add3A_549 = arith.addi %mul3A_103, %add3A_548 : i32
        %get3A_550 = arith.index_cast %add3A_549 : i32 to index
        %get3A_551 = arith.constant 48 : index
        %get3A_552 = tpu.vector_load %arg6[%get3A_550, %get3A_551] {strides = array<i32>} : memref<640x64xf32, #tpu.memory_space<vmem>>, vector<1x16xf32>,
        %get3A_553 = vector.shape_cast %get3A_552 : vector<1x16xf32> to vector<16xf32>
        %add3A_554 = arith.addf %add3A_547, %get3A_553 : vector<16xf32>
        %add3A_555 = arith.constant 3 : i32
        %add3A_556 = arith.addi %mul3A_103, %add3A_555 : i32
        %get3A_557 = arith.index_cast %add3A_556 : i32 to index
        %get3A_558 = arith.constant 48 : index
        %get3A_559 = tpu.vector_load %arg6[%get3A_557, %get3A_558] {strides = array<i32>} : memref<640x64xf32, #tpu.memory_space<vmem>>, vector<1x16xf32>,
        %get3A_560 = vector.shape_cast %get3A_559 : vector<1x16xf32> to vector<16xf32>
        %add3A_561 = arith.addf %add3A_554, %get3A_560 : vector<16xf32>
        %add3A_562 = arith.constant 4 : i32
        %add3A_563 = arith.addi %mul3A_103, %add3A_562 : i32
        %get3A_564 = arith.index_cast %add3A_563 : i32 to index
        %get3A_565 = arith.constant 48 : index
        %get3A_566 = tpu.vector_load %arg6[%get3A_564, %get3A_565] {strides = array<i32>} : memref<640x64xf32, #tpu.memory_space<vmem>>, vector<1x16xf32>,
        %get3A_567 = vector.shape_cast %get3A_566 : vector<1x16xf32> to vector<16xf32>
        %add3A_568 = arith.addf %add3A_561, %get3A_567 : vector<16xf32>
        %add3A_569 = arith.constant 5 : i32
        %add3A_570 = arith.addi %mul3A_103, %add3A_569 : i32
        %get3A_571 = arith.index_cast %add3A_570 : i32 to index
        %get3A_572 = arith.constant 48 : index
        %get3A_573 = tpu.vector_load %arg6[%get3A_571, %get3A_572] {strides = array<i32>} : memref<640x64xf32, #tpu.memory_space<vmem>>, vector<1x16xf32>,
        %get3A_574 = vector.shape_cast %get3A_573 : vector<1x16xf32> to vector<16xf32>
        %add3A_575 = arith.addf %add3A_568, %get3A_574 : vector<16xf32>
        %add3A_576 = arith.constant 6 : i32
        %add3A_577 = arith.addi %mul3A_103, %add3A_576 : i32
        %get3A_578 = arith.index_cast %add3A_577 : i32 to index
        %get3A_579 = arith.constant 48 : index
        %get3A_580 = tpu.vector_load %arg6[%get3A_578, %get3A_579] {strides = array<i32>} : memref<640x64xf32, #tpu.memory_space<vmem>>, vector<1x16xf32>,
        %get3A_581 = vector.shape_cast %get3A_580 : vector<1x16xf32> to vector<16xf32>
        %add3A_582 = arith.addf %add3A_575, %get3A_581 : vector<16xf32>
        %add3A_583 = arith.constant 7 : i32
        %add3A_584 = arith.addi %mul3A_103, %add3A_583 : i32
        %get3A_585 = arith.index_cast %add3A_584 : i32 to index
        %get3A_586 = arith.constant 48 : index
        %get3A_587 = tpu.vector_load %arg6[%get3A_585, %get3A_586] {strides = array<i32>} : memref<640x64xf32, #tpu.memory_space<vmem>>, vector<1x16xf32>,
        %get3A_588 = vector.shape_cast %get3A_587 : vector<1x16xf32> to vector<16xf32>
        %add3A_589 = arith.addf %add3A_582, %get3A_588 : vector<16xf32>
        %add3A_590 = arith.constant 8 : i32
        %add3A_591 = arith.addi %mul3A_103, %add3A_590 : i32
        %get3A_592 = arith.index_cast %add3A_591 : i32 to index
        %get3A_593 = arith.constant 48 : index
        %get3A_594 = tpu.vector_load %arg6[%get3A_592, %get3A_593] {strides = array<i32>} : memref<640x64xf32, #tpu.memory_space<vmem>>, vector<1x16xf32>,
        %get3A_595 = vector.shape_cast %get3A_594 : vector<1x16xf32> to vector<16xf32>
        %add3A_596 = arith.addf %add3A_589, %get3A_595 : vector<16xf32>
        %add3A_597 = arith.constant 9 : i32
        %add3A_598 = arith.addi %mul3A_103, %add3A_597 : i32
        %get3A_599 = arith.index_cast %add3A_598 : i32 to index
        %get3A_600 = arith.constant 48 : index
        %get3A_601 = tpu.vector_load %arg6[%get3A_599, %get3A_600] {strides = array<i32>} : memref<640x64xf32, #tpu.memory_space<vmem>>, vector<1x16xf32>,
        %get3A_602 = vector.shape_cast %get3A_601 : vector<1x16xf32> to vector<16xf32>
        %add3A_603 = arith.addf %add3A_596, %get3A_602 : vector<16xf32>
        %add3A_604 = arith.constant 10 : i32
        %add3A_605 = arith.addi %mul3A_103, %add3A_604 : i32
        %get3A_606 = arith.index_cast %add3A_605 : i32 to index
        %get3A_607 = arith.constant 48 : index
        %get3A_608 = tpu.vector_load %arg6[%get3A_606, %get3A_607] {strides = array<i32>} : memref<640x64xf32, #tpu.memory_space<vmem>>, vector<1x16xf32>,
        %get3A_609 = vector.shape_cast %get3A_608 : vector<1x16xf32> to vector<16xf32>
        %add3A_610 = arith.addf %add3A_603, %get3A_609 : vector<16xf32>
        %add3A_611 = arith.constant 11 : i32
        %add3A_612 = arith.addi %mul3A_103, %add3A_611 : i32
        %get3A_613 = arith.index_cast %add3A_612 : i32 to index
        %get3A_614 = arith.constant 48 : index
        %get3A_615 = tpu.vector_load %arg6[%get3A_613, %get3A_614] {strides = array<i32>} : memref<640x64xf32, #tpu.memory_space<vmem>>, vector<1x16xf32>,
        %get3A_616 = vector.shape_cast %get3A_615 : vector<1x16xf32> to vector<16xf32>
        %add3A_617 = arith.addf %add3A_610, %get3A_616 : vector<16xf32>
        %add3A_618 = arith.constant 12 : i32
        %add3A_619 = arith.addi %mul3A_103, %add3A_618 : i32
        %get3A_620 = arith.index_cast %add3A_619 : i32 to index
        %get3A_621 = arith.constant 48 : index
        %get3A_622 = tpu.vector_load %arg6[%get3A_620, %get3A_621] {strides = array<i32>} : memref<640x64xf32, #tpu.memory_space<vmem>>, vector<1x16xf32>,
        %get3A_623 = vector.shape_cast %get3A_622 : vector<1x16xf32> to vector<16xf32>
        %add3A_624 = arith.addf %add3A_617, %get3A_623 : vector<16xf32>
        %add3A_625 = arith.constant 13 : i32
        %add3A_626 = arith.addi %mul3A_103, %add3A_625 : i32
        %get3A_627 = arith.index_cast %add3A_626 : i32 to index
        %get3A_628 = arith.constant 48 : index
        %get3A_629 = tpu.vector_load %arg6[%get3A_627, %get3A_628] {strides = array<i32>} : memref<640x64xf32, #tpu.memory_space<vmem>>, vector<1x16xf32>,
        %get3A_630 = vector.shape_cast %get3A_629 : vector<1x16xf32> to vector<16xf32>
        %add3A_631 = arith.addf %add3A_624, %get3A_630 : vector<16xf32>
        %add3A_632 = arith.constant 14 : i32
        %add3A_633 = arith.addi %mul3A_103, %add3A_632 : i32
        %get3A_634 = arith.index_cast %add3A_633 : i32 to index
        %get3A_635 = arith.constant 48 : index
        %get3A_636 = tpu.vector_load %arg6[%get3A_634, %get3A_635] {strides = array<i32>} : memref<640x64xf32, #tpu.memory_space<vmem>>, vector<1x16xf32>,
        %get3A_637 = vector.shape_cast %get3A_636 : vector<1x16xf32> to vector<16xf32>
        %add3A_638 = arith.addf %add3A_631, %get3A_637 : vector<16xf32>
        %add3A_639 = arith.constant 15 : i32
        %add3A_640 = arith.addi %mul3A_103, %add3A_639 : i32
        %get3A_641 = arith.index_cast %add3A_640 : i32 to index
        %get3A_642 = arith.constant 48 : index
        %get3A_643 = tpu.vector_load %arg6[%get3A_641, %get3A_642] {strides = array<i32>} : memref<640x64xf32, #tpu.memory_space<vmem>>, vector<1x16xf32>,
        %get3A_644 = vector.shape_cast %get3A_643 : vector<1x16xf32> to vector<16xf32>
        %add3A_645 = arith.addf %add3A_638, %get3A_644 : vector<16xf32>
        %add3A_646 = arith.constant 16 : i32
        %add3A_647 = arith.addi %mul3A_103, %add3A_646 : i32
        %get3A_648 = arith.index_cast %add3A_647 : i32 to index
        %get3A_649 = arith.constant 48 : index
        %get3A_650 = tpu.vector_load %arg6[%get3A_648, %get3A_649] {strides = array<i32>} : memref<640x64xf32, #tpu.memory_space<vmem>>, vector<1x16xf32>,
        %get3A_651 = vector.shape_cast %get3A_650 : vector<1x16xf32> to vector<16xf32>
        %add3A_652 = arith.addf %add3A_645, %get3A_651 : vector<16xf32>
        %add3A_653 = arith.constant 17 : i32
        %add3A_654 = arith.addi %mul3A_103, %add3A_653 : i32
        %get3A_655 = arith.index_cast %add3A_654 : i32 to index
        %get3A_656 = arith.constant 48 : index
        %get3A_657 = tpu.vector_load %arg6[%get3A_655, %get3A_656] {strides = array<i32>} : memref<640x64xf32, #tpu.memory_space<vmem>>, vector<1x16xf32>,
        %get3A_658 = vector.shape_cast %get3A_657 : vector<1x16xf32> to vector<16xf32>
        %add3A_659 = arith.addf %add3A_652, %get3A_658 : vector<16xf32>
        %add3A_660 = arith.constant 18 : i32
        %add3A_661 = arith.addi %mul3A_103, %add3A_660 : i32
        %get3A_662 = arith.index_cast %add3A_661 : i32 to index
        %get3A_663 = arith.constant 48 : index
        %get3A_664 = tpu.vector_load %arg6[%get3A_662, %get3A_663] {strides = array<i32>} : memref<640x64xf32, #tpu.memory_space<vmem>>, vector<1x16xf32>,
        %get3A_665 = vector.shape_cast %get3A_664 : vector<1x16xf32> to vector<16xf32>
        %add3A_666 = arith.addf %add3A_659, %get3A_665 : vector<16xf32>
        %add3A_667 = arith.constant 19 : i32
        %add3A_668 = arith.addi %mul3A_103, %add3A_667 : i32
        %get3A_669 = arith.index_cast %add3A_668 : i32 to index
        %get3A_670 = arith.constant 48 : index
        %get3A_671 = tpu.vector_load %arg6[%get3A_669, %get3A_670] {strides = array<i32>} : memref<640x64xf32, #tpu.memory_space<vmem>>, vector<1x16xf32>,
        %get3A_672 = vector.shape_cast %get3A_671 : vector<1x16xf32> to vector<16xf32>
        %add3A_673 = arith.addf %add3A_666, %get3A_672 : vector<16xf32>
        %mul3A_674 = arith.constant 5.000000e-02 : f32
        %mul3A_675 = vector.broadcast %mul3A_674 : f32 to vector<16xf32>
        %mul3A_676 = arith.mulf %add3A_673, %mul3A_675 : vector<16xf32>
        %swap3A_677 = arith.index_cast %scan3A_101 : i32 to index
        %swap3A_678 = arith.constant 48 : index
        %swap3A_679 = tpu.vector_load %arg7[%swap3A_677, %swap3A_678] {strides = array<i32>} : memref<32x64xf32, #tpu.memory_space<vmem>>, vector<1x16xf32>,
        %swap3A_680 = vector.shape_cast %swap3A_679 : vector<1x16xf32> to vector<16xf32>
        %swap3A_681 = vector.shape_cast %mul3A_676 : vector<16xf32> to vector<1x16xf32>
        tpu.vector_store %arg7[%swap3A_677, %swap3A_678], %swap3A_681 {strides = array<i32>} : memref<32x64xf32, #tpu.memory_space<vmem>>, vector<1x16xf32>,
      }
      %scan3A_95 = arith.constant 32 : i32
      %mul3A_96 = arith.constant 512 : i32
      %mul3A_97 = arith.muli %add3A, %mul3A_96 : i32
      %mul3A_98 = arith.constant 32 : i32
      %mul3A_99 = arith.muli %scan3A_6, %mul3A_98 : i32
      %add3A_100 = arith.addi %mul3A_97, %mul3A_99 : i32
      "tpu.region"() ({
        %run_scoped3A = tpu.sem_alloc : memref<!tpu.dma_semaphore, #tpu.memory_space<semaphore_mem>>
        %dma_start3A_101 = arith.constant 0 : i32
        %dma_start3A_102 = tpu.memref_slice %arg4[%add3A_100, %dma_start3A_101] : memref<16384x64xf32, #tpu.memory_space<hbm>> -> memref<32x64xf32, #tpu.memory_space<hbm>>
        %dma_start3A_103 = arith.constant 0 : i32
        %dma_start3A_104 = tpu.memref_slice %arg4[%add3A_100, %dma_start3A_103] : memref<16384x64xf32, #tpu.memory_space<hbm>> -> memref<32x64xf32, #tpu.memory_space<hbm>>
        tpu.enqueue_dma source(%arg7 : memref<32x64xf32, #tpu.memory_space<vmem>>) target(%dma_start3A_104 : memref<32x64xf32, #tpu.memory_space<hbm>>) target_semaphore(%run_scoped3A : memref<!tpu.dma_semaphore, #tpu.memory_space<semaphore_mem>>)
        %dma_wait3A_105 = arith.constant 0 : i32
        %dma_wait3A_106 = tpu.memref_slice %arg4[%add3A_100, %dma_wait3A_105] : memref<16384x64xf32, #tpu.memory_space<hbm>> -> memref<32x64xf32, #tpu.memory_space<hbm>>
        %dma_wait3A_107 = arith.constant 0 : i32
        %dma_wait3A_108 = tpu.memref_slice %arg4[%add3A_100, %dma_wait3A_107] : memref<16384x64xf32, #tpu.memory_space<hbm>> -> memref<32x64xf32, #tpu.memory_space<hbm>>
        tpu.wait_dma2 semaphore(%run_scoped3A : memref<!tpu.dma_semaphore, #tpu.memory_space<semaphore_mem>>) src(%arg7 : memref<32x64xf32, #tpu.memory_space<vmem>>) dst(%dma_wait3A_108 : memref<32x64xf32, #tpu.memory_space<hbm>>)
        tpu.yield
      }) : () -> ()
    }
    %scan3A_5 = arith.constant 16 : i32
    return
  }
}

</mosaic_0001>

<sc_bundles>
// kernel: kernel.3.cloned.1.call-start
scs
__scs_entry_jumppad:
0x0: {  	(pc) =	sbr.rel $0x88, $3  }
0x1: {  	(tag) =	ssettag $0x0;
	lr =	simm.s32 $0x1  }
0x2: {  	[smem:$0x3F9F] =	sst lr;
	_ =	strace $0xD0000000  }
0x3: {  	_ = 	snop  }
0x4: {  	_ = 	snop  }
0x5: {  	_ = 	snop  }
0x6: {  	_ = 	snop  }
0x7: {  	_ = 	snop  }
__scs_overlays_trampoline_lowered:
0x8: {  	[smem:$0x3FAE] =	sst s0  }
0x9: {  	[smem:$0x3FAF] =	sst s1  }
0xa: {  	[smem:$0x3FB0] =	sst s2  }
0xb: {  	[smem:$0x3FB1] =	sst s3  }
0xc: {  	[smem:$0x3FB2] =	sst s4  }
0xd: {  	[smem:$0x3FB3] =	sst s5  }
0xe: {  	[smem:$0x3FB4] =	sst s6  }
0xf: {  	[smem:$0x3FB5] =	sst s7  }
0x10: {  	[smem:$0x3FB6] =	sst s8  }
0x11: {  	[smem:$0x3FB7] =	sst s9;
	s0 =	simm.s32 @!p0 $0x0  }
0x12: {  	s1 =	sld [smem:$0x3F9D];
	s0 =	simm.s32 @p0 $0x1  }
0x13: {  	[smem:$0x3FB8] =	sst s0;
	s0 =	simm.s32 @!p1 $0x0  }
0x14: {  	s2 =	sld [smem:$0x3F9C];
	s0 =	simm.s32 @p1 $0x1  }
0x15: {  	[smem:$0x3FB9] =	sst s0;
	s0 =	simm.s32 @!p2 $0x0  }
0x16: {  	s3 =	sld [smem:$0x3FDB];
	s0 =	simm.s32 @p2 $0x1  }
0x17: {  	s4 =	simm.s32 $0x1BF5;
	[smem:$0x3FBB] =	sst s0  }
0x18: {  	s0 =	sld [smem:$0x3F9E];
	_ =	swait.ge [sflag:s4], $0x0  }
0x19: {  	s7 =	sld [smem:$0x3F9F]  }
0x1a: {  	s8 =	sadd.s32 $0xFFFFE003, lr  }
0x1b: {  	s9 =	sadd.s32 $0xFFFFFEF7, lr;
	s5 =	simm.s32 $0xFFFFFFFF;
	p2 =	slt.u32 s8, $0xFFFFF086  }
0x1c: {  	p1 =	slt.u32 s9, $0xF7A;
	s5 =	simm.s32 @!p2 $0x0  }
0x1d: {  	s5 =	simm.s32 @p1 $0x1;
	p0 =	seq.s32 s7, s2  }
0x1e: {  	s7 =	smul.u32 @!p0 $0xF7A, s2;
	p2 =	seq.s32 @!p0 s5, $0x0  }
0x1f: {  	s9 =	smul.u32 $0xF7A, s1;
	s8 =	simm.s32 @!p0 $0x1BF5;
	p2 =	por !p2, p0  }
0x20: {  	[sflag:s8] =	ssyncset.s32 @!p0 $0xFFFFF086;
	s6 =	sadd.s32 @!p0 s3, s7;
	s7 =	simm.s32 @!p0 $0x108  }
0x21: {  	s3 =	sadd.s32 s3, s9;
	s6 =	sadd.s32 @!p0 $0x88, s6;
	s7 =	simm.s32 @p2 $0x1082  }
0x22: {  	[simem:s7], [sflag:s8] =	dma.local @!p0 [hbm:s6], $0xF7A  }
0x23: {  	s9 =	sor.u32 $0xD0000000, s2;
	s6 =	simm.s32 $0x108;
	_ =	swait.ge @!p0 [sflag:s8], $0x0  }
0x24: {  	s3 =	sadd.s32 $0x88, s3;
	s6 =	simm.s32 @!p1 $0x1082;
	[sflag:s4] =	ssyncset.s32 $0xFFFFF086  }
0x25: {  	[simem:s6], [sflag:s4] =	dma.local [hbm:s3], $0xF7A  }
0x26: {  	[smem:$0x3F9F] =	sst s1;
	(tag) =	ssettag s2;
	_ =	strace s9  }
0x27: {  	s1 =	sld [smem:$0x3FAF]  }
0x28: {  	s2 =	sld [smem:$0x3FB0]  }
0x29: {  	s4 =	sld [smem:$0x3FB2]  }
0x2a: {  	p0 =	seq.s32 s5, $0x0;
	s5 =	sld [smem:$0x3FB3]  }
0x2b: {  	s6 =	sld [smem:$0x3FB4]  }
0x2c: {  	s7 =	sld [smem:$0x3FB5]  }
0x2d: {  	s3 =	simm.s32 $0x108;
	s8 =	sld [smem:$0x3FB6]  }
0x2e: {  	s3 =	simm.s32 @!p0 $0x1082;
	s9 =	sld [smem:$0x3FB7]  }
0x2f: {  	lr =	sadd.s32 s0, s3;
	s0 =	sld [smem:$0x3FAE]  }
0x30: {  	s3 =	sld [smem:$0x3FB1]  }
0x31: {  	[smem:$0x3FBA] =	sst s10  }
0x32: {  	s10 =	sld [smem:$0x3FB8];
	_ =	sdelay $0x3  }
0x33: {  	p0 =	seq.s32 s10, $0x1;
	s10 =	sld [smem:$0x3FBA];
	_ =	sdelay $0x3  }
0x34: {  	[smem:$0x3FBA] =	sst s10  }
0x35: {  	s10 =	sld [smem:$0x3FB9];
	_ =	sdelay $0x3  }
0x36: {  	p1 =	seq.s32 s10, $0x1;
	s10 =	sld [smem:$0x3FBA];
	_ =	sdelay $0x3  }
0x37: {  	[smem:$0x3FBA] =	sst s10  }
0x38: {  	s10 =	sld [smem:$0x3FBB]  }
0x39: {  	_ = 	snop;
	(pc) =	sbr.ind lr, $3  }
0x3a: {  	_ = 	snop  }
0x3b: {  	_ = 	snop  }
0x3c: {  	p2 =	seq.s32 s10, $0x1;
	s10 =	sld [smem:$0x3FBA]  }
0x3d: {  	_ =	shalt  }
0x3e: {  	_ =	shalt  }
0x3f: {  	_ =	shalt  }
0x40: {  	_ =	shalt  }
0x41: {  	_ =	shalt  }
0x42: {  	_ =	shalt  }
0x43: {  	_ =	shalt  }
0x44: {  	_ =	shalt  }
0x45: {  	_ =	shalt  }
0x46: {  	_ =	shalt  }
0x47: {  	_ =	shalt  }
0x48: {  	_ =	shalt  }
0x49: {  	_ =	shalt  }
0x4a: {  	_ =	shalt  }
0x4b: {  	_ =	shalt  }
0x4c: {  	_ =	shalt  }
0x4d: {  	_ =	shalt  }
0x4e: {  	_ =	shalt  }
0x4f: {  	_ =	shalt  }
0x50: {  	_ =	shalt  }
0x51: {  	_ =	shalt  }
0x52: {  	_ =	shalt  }
0x53: {  	_ =	shalt  }
0x54: {  	_ =	shalt  }
0x55: {  	_ =	shalt  }
0x56: {  	_ =	shalt  }
0x57: {  	_ =	shalt  }
0x58: {  	_ =	shalt  }
0x59: {  	_ =	shalt  }
0x5a: {  	_ =	shalt  }
0x5b: {  	_ =	shalt  }
0x5c: {  	_ =	shalt  }
0x5d: {  	_ =	shalt  }
0x5e: {  	_ =	shalt  }
0x5f: {  	_ =	shalt  }
0x60: {  	_ =	shalt  }
0x61: {  	_ =	shalt  }
0x62: {  	_ =	shalt  }
0x63: {  	_ =	shalt  }
0x64: {  	_ =	shalt  }
0x65: {  	_ =	shalt  }
0x66: {  	_ =	shalt  }
0x67: {  	_ =	shalt  }
0x68: {  	_ =	shalt  }
0x69: {  	_ =	shalt  }
0x6a: {  	_ =	shalt  }
0x6b: {  	_ =	shalt  }
0x6c: {  	_ =	shalt  }
0x6d: {  	_ =	shalt  }
0x6e: {  	_ =	shalt  }
0x6f: {  	_ =	shalt  }
0x70: {  	_ =	shalt  }
0x71: {  	_ =	shalt  }
0x72: {  	_ =	shalt  }
0x73: {  	_ =	shalt  }
0x74: {  	_ =	shalt  }
0x75: {  	_ =	shalt  }
0x76: {  	_ =	shalt  }
0x77: {  	_ =	shalt  }
0x78: {  	_ =	shalt  }
0x79: {  	_ =	shalt  }
0x7a: {  	_ =	shalt  }
0x7b: {  	_ =	shalt  }
0x7c: {  	_ =	shalt  }
0x7d: {  	_ =	shalt  }
0x7e: {  	_ =	shalt  }
0x7f: {  	_ =	shalt  }
0x80: {  	_ =	shalt  }
0x81: {  	_ =	shalt  }
0x82: {  	_ =	shalt  }
0x83: {  	_ =	shalt  }
0x84: {  	_ =	shalt  }
0x85: {  	_ =	shalt  }
0x86: {  	_ =	shalt  }
0x87: {  	_ =	shalt  }
.Lfunc_end0:
.L_simem_size_0:
called_computation_lowered:
.L_overlay_start_0:
0x88: {  	s2 =	sld [smem:$0x3FD9]  }
0x89: {  	s3 =	sld [smem:$0x3FFE];
	_ =	sdelay $0x1  }
0x8a: {  	s1 =	srdreg.scid  }
0x8b: {  	s0 =	sand.u32 $0x1, s1  }
0x8c: {  	s17 =	sshll.u32 s0, $0xA;
	s2 =	sadd.s32 s3, s2  }
0x8d: {  	s2 =	sadd.s32 s2, s17  }
0x8e: {  	[smem:$0x3FC6] =	sst s2  }
0x8f: {  	_ = 	snop  }
0x90: {  	s2 =	sld [smem:$0x3FD0];
	(tm) =	ssettm $0x1  }
0x91: {  	s18 =	sld [smem:$0x3FFB];
	_ =	sdelay $0x3  }
0x92: {  	_ =	strace s18  }
0x93: {  	s3 =	sld [smem:$0x3FFC];
	_ =	sdelay $0x3  }
0x94: {  	_ =	strace s3  }
0x95: {  	s3 =	sld [smem:$0x3FFD];
	_ =	sdelay $0x3  }
0x96: {  	_ =	strace s3  }
0x97: {  	_ =	strace $0x8FFFFFFF  }
0x98: {  	s19 =	sld [smem:$0x3FDB];
	_ =	sdelay $0x1  }
0x99: {  	s4 =	simm.s32 $_scs_section_size  }
0x9a: {  	s5 =	simm.s32 $_size__tile_overlayer_lowered;
	s6 =	simm.s32 $_tile_overlayer_lowered  }
0x9b: {  	s22 =	simm.s32 $0x1BFF;
	s21 =	sshll.u32 s6, $0x1;
	s3 =	sadd.s32 s4, s19  }
0x9c: {  	s7 =	simm.s32 $0x0;
	s20 =	sshll.u32 s5, $0x1;
	s5 =	sadd.s32 s21, s3  }
0x9d: {  	[timem:s7], [sflag:s22] =	dma.local [hbm:s5], s20  }
0x9e: {  	_ =	swait.ge [sflag:s22], s20  }
0x9f: {  	s4 =	ssub.s32 $0x0, s20;
	[sflag:s22] =	ssyncset.done $0x0  }
0xa0: {  	[sflag:s22] =	ssyncadd.s32 s4;
	_ =	sdelay $0x1  }
0xa1: {  	s23 =	simm.s32 $0x1B8B  }
0xa2: {  	_ =	swait.ge [sflag:s23], $0x1  }
0xa3: {  	[sflag:s23] =	ssyncset.done $0x0  }
0xa4: {  	s25 =	simm.s32 $0x1B8E;
	s24 =	sld [smem:$0x3FFE];
	[sflag:s23] =	ssyncadd.s32 $0xFFFFFFFF  }
0xa5: {  	s26 =	simm.s32 $execute0_lowered;
	[smem:$0x3FD2] =	sst s25  }
0xa6: {  	s5 =	sshll.u32 s26, $0x1;
	_ =	strace $0x80000046;
	[dreg:$0x1] =	wrdreg $0xFFFFFFFF  }
0xa7: {  	s28 =	simm.s32 $_size_execute0_lowered;
	s3 =	sadd.s32 s3, s5;
	[dreg:$0x0] =	wrdreg $0x0  }
0xa8: {  	s5 =	sshll.u32 s28, $0x1;
	[dreg:$0x2] =	wrdreg s3  }
0xa9: {  	[dreg:$0x3] =	wrdreg s5  }
0xaa: {  	[dreg:$0x4] =	wrdreg $0xC0  }
0xab: {  	_ =	task [dreg:s7], $0x5FFFF  }
0xac: {  	[dreg:$0x1] =	wrdreg $0xFFFFFFFF  }
0xad: {  	[dreg:$0x0] =	wrdreg $0x60  }
0xae: {  	[dreg:$0x2] =	wrdreg s24  }
0xaf: {  	[dreg:$0x3] =	wrdreg s2  }
0xb0: {  	[dreg:$0x4] =	wrdreg $0x9  }
0xb1: {  	_ =	task.clear_ibuf [dreg:s7], $0x5FFFF;
	_ =	strace $0x90000046  }
0xb2: {  	s29 =	simm.s32 $0x9;
	_ =	strace $0x80000048  }
0xb3: {  	_ =	swait.ge [sflag:s29], $0x1  }
0xb4: {  	[sflag:s29] =	ssyncadd.s32 $0xFFFFFFFF  }
0xb5: {  	_ =	strace $0x90000048  }
0xb6: {  	_ =	sfence  }
0xb7: {  	s30 =	sld [smem:$0x0];
	_ =	sdelay $0x2  }
0xb8: {  	s31 =	sshll.u32 s1, $0xD;
	s1 =	sshrl.u32 s1, $0x2  }
0xb9: {  	s3 =	sand.u32 $0x4000, s31;
	s1 =	sadd.s32 s1, s30  }
0xba: {  	s0 =	sor.u32 s3, s0;
	s1 =	sshll.u32 s1, $0x11  }
0xbb: {  	s0 =	sor.u32 s1, s0  }
0xbc: {  	s0 =	sadd.s32 $0x8F2B, s0  }
0xbd: {  	[sflag:s0] =	ssyncadd.remote.s32 $0x1  }
0xbe: {  	_ =	sfence.sel $0xFFFF  }
0xbf: {  	[dreg:$0x0] =	wrdreg $0xFFFFFFFF;
	(pc) =	sbr.abs _section_cstart, $3  }
0xc0: {  	[dreg:$0x1] =	wrdreg $0xFFFFFFFF  }
0xc1: {  	_ =	task.clear_ibuf [dreg:s7], $0x2FFFF;
	_ =	strace $0x9FFFFFFF  }
0xc2: {  	(tm) =	ssettm $0x7FFFFFFF  }
0xc3: {  	_ =	shalt  }
tec
execute0_lowered:
.L_overlay_start_1:
0x0: {  	(tag) =	ssettag $0x1  }
0x1: {  	s4 =	rddreg [dreg:$0x0]  }
0x2: {  	s6 =	rddreg [dreg:$0x1]  }
0x3: {  	s0 =	rddreg [dreg:$0x2]  }
0x4: {  	s2 =	simm.s32 $0x0;
	s3 =	srdreg.scid;
	s1 =	stileid.u32  }
0x5: {  	s10 =	simm.s32 $0x280;
	s11 =	simm.s32 $0x2280;
	s12 =	simm.s32 $0x100  }
0x6: {  	s13 =	simm.s32 $0x4280;
	s14 =	simm.s32 $0x180;
	s15 =	simm.s32 $0x6280  }
0x7: {  	s16 =	simm.s32 $0x200;
	s17 =	simm.s32 $0x8280;
	s18 =	simm.s32 $0x1  }
0x8: {  	s19 =	simm.s32 $0xA280;
	s20 =	simm.s32 $0x0;
	[smem:$0x7FF] =	sst s2  }
0x9: {  	s5 =	sand.u32 $0x1, s3;
	s3 =	sadd.s32 $0x600, s4;
	s8 =	sshll.u32 s1, $0x1  }
0xa: {  	s4 =	sadd.s32 $0xF42A00, s4;
	s7 =	ssub.s32 $0x2, s5;
	s8 =	sor.u32 s5, s8  }
0xb: {  	s9 =	sshrl.u32 s7, $0x1;
	s5 =	smul.u32 $0x2800, s8;
	s8 =	sshll.u32 s8, $0xC  }
0xc: {  	_ =	strace $0x80000047;
	s7 =	ssub.s32 s7, s9;
	s6 =	sadd.s32 s6, s8  }
0xd: {  	s8 =	simm.s32 $0x2;
	s9 =	simm.s32 $0x80;
	s7 =	smax.u32 s7, $0x1  }
.LBB2_1:
0xe: {  	s21 =	simm.s32 $0x0  }
.LBB2_2:
0xf: {  	s22 =	smul.u32 $0x280, s21;
	_ =	sdelay $0x1  }
0x10: {  	s22 =	sadd.s32 s5, s22  }
0x11: {  	s22 =	sshrl.u32 s22, $0x3  }
0x12: {  	s23 =	simm.s32 $0x0;
	s22 =	sadd.s32 s3, s22  }
0x13: {  	[tilespmem:s23], [sflag:$0x2] =	stream.linear.gather [hbm4b:s22+s23], $0x280, $0x38;
	[tilespmem:$0xAA80] =	vst v63  }
0x14: {  	_ =	swait.ge [sflag:s8], $0x280  }
0x15: {  	[sflag:s8] =	ssyncset.done $0x0  }
0x16: {  	[sflag:s8] =	ssyncadd.s32 $0xFFFFFD80  }
0x17: {  	[tilespmem:s10], [sflag:$0x1] =	stream.indirect.gather [hbm4b:s4+s9], $0x40, s23, s9, $0xb8;
	[tilespmem:$0xAA80] =	vst v63  }
0x18: {  	_ = 	snop  }
0x19: {  	[tilespmem:s11], [sflag:$0x1] =	stream.indirect.gather [hbm4b:s4+s9], $0x40, s9, s9, $0xb8;
	[tilespmem:$0xAA80] =	vst v63  }
0x1a: {  	_ = 	snop  }
0x1b: {  	[tilespmem:s13], [sflag:$0x1] =	stream.indirect.gather [hbm4b:s4+s9], $0x40, s12, s9, $0xb8;
	[tilespmem:$0xAA80] =	vst v63  }
0x1c: {  	_ = 	snop  }
0x1d: {  	[tilespmem:s15], [sflag:$0x1] =	stream.indirect.gather [hbm4b:s4+s9], $0x40, s14, s9, $0xb8;
	[tilespmem:$0xAA80] =	vst v63  }
0x1e: {  	_ = 	snop  }
0x1f: {  	[tilespmem:s17], [sflag:$0x1] =	stream.indirect.gather [hbm4b:s4+s9], $0x40, s16, s9, $0xb8;
	[tilespmem:$0xAA80] =	vst v63  }
0x20: {  	_ =	swait.ge [sflag:s18], $0x2000  }
0x21: {  	[sflag:s18] =	ssyncset.done $0x0  }
0x22: {  	[sflag:s18] =	ssyncadd.s32 $0xFFFFE000  }
0x23: {  	_ =	swait.ge [sflag:s18], $0x2000  }
0x24: {  	[sflag:s18] =	ssyncset.done $0x0  }
0x25: {  	[sflag:s18] =	ssyncadd.s32 $0xFFFFE000  }
0x26: {  	_ =	swait.ge [sflag:s18], $0x2000  }
0x27: {  	[sflag:s18] =	ssyncset.done $0x0  }
0x28: {  	[sflag:s18] =	ssyncadd.s32 $0xFFFFE000  }
0x29: {  	_ =	swait.ge [sflag:s18], $0x2000  }
0x2a: {  	[sflag:s18] =	ssyncset.done $0x0  }
0x2b: {  	[sflag:s18] =	ssyncadd.s32 $0xFFFFE000  }
0x2c: {  	_ =	swait.ge [sflag:s18], $0x2000  }
0x2d: {  	[sflag:s18] =	ssyncset.done $0x0  }
0x2e: {  	s22 =	simm.s32 $0x500;
	[sflag:s18] =	ssyncadd.s32 $0xFFFFE000  }
0x2f: {  	v0 =	vld [tilespmem:s22+$0xFFFFFDC0]  }
0x30: {  	v1 =	vld [tilespmem:s22+$0xFFFFFD80];
	_ =	sdelay $0x1  }
0x31: {  	v2 =	vld [tilespmem:s22+$0xFFFFFE00];
	_ =	sdelay $0x1  }
0x32: {  	v3 =	vld [tilespmem:s22+$0xFFFFFE40]  }
0x33: {  	v0 =	vadd.f32 v0, v1  }
0x34: {  	v1 =	vld [tilespmem:s22+$0xFFFFFE80]  }
0x35: {  	v0 =	vadd.f32 v2, v0  }
0x36: {  	v2 =	vld [tilespmem:s22+$0xFFFFFEC0]  }
0x37: {  	v0 =	vadd.f32 v3, v0  }
0x38: {  	v3 =	vld [tilespmem:s22+$0xFFFFFF00]  }
0x39: {  	v0 =	vadd.f32 v1, v0  }
0x3a: {  	v1 =	vld [tilespmem:s22+$0xFFFFFF40]  }
0x3b: {  	v0 =	vadd.f32 v2, v0  }
0x3c: {  	v2 =	vld [tilespmem:s22+$0xFFFFFF80]  }
0x3d: {  	v0 =	vadd.f32 v3, v0  }
0x3e: {  	v3 =	vld [tilespmem:s22+$0xFFFFFFC0]  }
0x3f: {  	v0 =	vadd.f32 v1, v0  }
0x40: {  	v1 =	vld [tilespmem:s22+$0x0]  }
0x41: {  	v0 =	vadd.f32 v2, v0  }
0x42: {  	v2 =	vld [tilespmem:s22+$0x40]  }
0x43: {  	v0 =	vadd.f32 v3, v0  }
0x44: {  	v3 =	vld [tilespmem:s22+$0x80]  }
0x45: {  	v0 =	vadd.f32 v1, v0  }
0x46: {  	v1 =	vld [tilespmem:s22+$0xC0]  }
0x47: {  	v0 =	vadd.f32 v2, v0  }
0x48: {  	v2 =	vld [tilespmem:s22+$0x100]  }
0x49: {  	v0 =	vadd.f32 v3, v0  }
0x4a: {  	v3 =	vld [tilespmem:s22+$0x140]  }
0x4b: {  	v0 =	vadd.f32 v1, v0  }
0x4c: {  	v1 =	vld [tilespmem:s22+$0x180]  }
0x4d: {  	v0 =	vadd.f32 v2, v0  }
0x4e: {  	v2 =	vld [tilespmem:s22+$0x1C0]  }
0x4f: {  	v0 =	vadd.f32 v3, v0  }
0x50: {  	v3 =	vld [tilespmem:s22+$0x200]  }
0x51: {  	v0 =	vadd.f32 v1, v0  }
0x52: {  	v1 =	vld [tilespmem:s22+$0x240]  }
0x53: {  	v0 =	vadd.f32 v2, v0;
	_ =	sdelay $0x1  }
0x54: {  	v0 =	vadd.f32 v3, v0;
	_ =	sdelay $0x1  }
0x55: {  	v0 =	vadd.f32 v1, v0;
	_ =	sdelay $0x1  }
0x56: {  	v0 =	vmul.f32 $5.000000070e-02, v0  }
0x57: {  	s23 =	simm.s32 $0x0  }
0x58: {  	[tilespmem:s23+$0xA280] =	vst v0  }
0x59: {  	v0 =	vld [tilespmem:s22+$0xFFFFFD90]  }
0x5a: {  	v1 =	vld [tilespmem:s22+$0xFFFFFDD0];
	_ =	sdelay $0x1  }
0x5b: {  	v2 =	vld [tilespmem:s22+$0xFFFFFE10];
	_ =	sdelay $0x1  }
0x5c: {  	v3 =	vld [tilespmem:s22+$0xFFFFFE50]  }
0x5d: {  	v0 =	vadd.f32 v1, v0  }
0x5e: {  	v1 =	vld [tilespmem:s22+$0xFFFFFE90]  }
0x5f: {  	v0 =	vadd.f32 v2, v0  }
0x60: {  	v2 =	vld [tilespmem:s22+$0xFFFFFED0]  }
0x61: {  	v0 =	vadd.f32 v3, v0  }
0x62: {  	v3 =	vld [tilespmem:s22+$0xFFFFFF10]  }
0x63: {  	v0 =	vadd.f32 v1, v0  }
0x64: {  	v1 =	vld [tilespmem:s22+$0xFFFFFF50]  }
0x65: {  	v0 =	vadd.f32 v2, v0  }
0x66: {  	v2 =	vld [tilespmem:s22+$0xFFFFFF90]  }
0x67: {  	v0 =	vadd.f32 v3, v0  }
0x68: {  	v3 =	vld [tilespmem:s22+$0xFFFFFFD0]  }
0x69: {  	v0 =	vadd.f32 v1, v0  }
0x6a: {  	v1 =	vld [tilespmem:s22+$0x10]  }
0x6b: {  	v0 =	vadd.f32 v2, v0  }
0x6c: {  	v2 =	vld [tilespmem:s22+$0x50]  }
0x6d: {  	v0 =	vadd.f32 v3, v0  }
0x6e: {  	v3 =	vld [tilespmem:s22+$0x90]  }
0x6f: {  	v0 =	vadd.f32 v1, v0  }
0x70: {  	v1 =	vld [tilespmem:s22+$0xD0]  }
0x71: {  	v0 =	vadd.f32 v2, v0  }
0x72: {  	v2 =	vld [tilespmem:s22+$0x110]  }
0x73: {  	v0 =	vadd.f32 v3, v0  }
0x74: {  	v3 =	vld [tilespmem:s22+$0x150]  }
0x75: {  	v0 =	vadd.f32 v1, v0  }
0x76: {  	v1 =	vld [tilespmem:s22+$0x190]  }
0x77: {  	v0 =	vadd.f32 v2, v0  }
0x78: {  	v2 =	vld [tilespmem:s22+$0x1D0]  }
0x79: {  	v0 =	vadd.f32 v3, v0  }
0x7a: {  	v3 =	vld [tilespmem:s22+$0x210]  }
0x7b: {  	v0 =	vadd.f32 v1, v0  }
0x7c: {  	v1 =	vld [tilespmem:s22+$0x250]  }
0x7d: {  	v0 =	vadd.f32 v2, v0;
	_ =	sdelay $0x1  }
0x7e: {  	v0 =	vadd.f32 v3, v0;
	_ =	sdelay $0x1  }
0x7f: {  	v0 =	vadd.f32 v1, v0;
	_ =	sdelay $0x1  }
0x80: {  	v0 =	vmul.f32 $5.000000070e-02, v0;
	_ =	sdelay $0x1  }
0x81: {  	[tilespmem:s23+$0xA290] =	vst v0  }
0x82: {  	v0 =	vld [tilespmem:s22+$0xFFFFFDA0]  }
0x83: {  	v1 =	vld [tilespmem:s22+$0xFFFFFDE0];
	_ =	sdelay $0x1  }
0x84: {  	v2 =	vld [tilespmem:s22+$0xFFFFFE20];
	_ =	sdelay $0x1  }
0x85: {  	v3 =	vld [tilespmem:s22+$0xFFFFFE60]  }
0x86: {  	v0 =	vadd.f32 v1, v0  }
0x87: {  	v1 =	vld [tilespmem:s22+$0xFFFFFEA0]  }
0x88: {  	v0 =	vadd.f32 v2, v0  }
0x89: {  	v2 =	vld [tilespmem:s22+$0xFFFFFEE0]  }
0x8a: {  	v0 =	vadd.f32 v3, v0  }
0x8b: {  	v3 =	vld [tilespmem:s22+$0xFFFFFF20]  }
0x8c: {  	v0 =	vadd.f32 v1, v0  }
0x8d: {  	v1 =	vld [tilespmem:s22+$0xFFFFFF60]  }
0x8e: {  	v0 =	vadd.f32 v2, v0  }
0x8f: {  	v2 =	vld [tilespmem:s22+$0xFFFFFFA0]  }
0x90: {  	v0 =	vadd.f32 v3, v0  }
0x91: {  	v3 =	vld [tilespmem:s22+$0xFFFFFFE0]  }
0x92: {  	v0 =	vadd.f32 v1, v0  }
0x93: {  	v1 =	vld [tilespmem:s22+$0x20]  }
0x94: {  	v0 =	vadd.f32 v2, v0  }
0x95: {  	v2 =	vld [tilespmem:s22+$0x60]  }
0x96: {  	v0 =	vadd.f32 v3, v0  }
0x97: {  	v3 =	vld [tilespmem:s22+$0xA0]  }
0x98: {  	v0 =	vadd.f32 v1, v0  }
0x99: {  	v1 =	vld [tilespmem:s22+$0xE0]  }
0x9a: {  	v0 =	vadd.f32 v2, v0  }
0x9b: {  	v2 =	vld [tilespmem:s22+$0x120]  }
0x9c: {  	v0 =	vadd.f32 v3, v0  }
0x9d: {  	v3 =	vld [tilespmem:s22+$0x160]  }
0x9e: {  	v0 =	vadd.f32 v1, v0  }
0x9f: {  	v1 =	vld [tilespmem:s22+$0x1A0]  }
0xa0: {  	v0 =	vadd.f32 v2, v0  }
0xa1: {  	v2 =	vld [tilespmem:s22+$0x1E0]  }
0xa2: {  	v0 =	vadd.f32 v3, v0  }
0xa3: {  	v3 =	vld [tilespmem:s22+$0x220]  }
0xa4: {  	v0 =	vadd.f32 v1, v0  }
0xa5: {  	v1 =	vld [tilespmem:s22+$0x260]  }
0xa6: {  	v0 =	vadd.f32 v2, v0;
	_ =	sdelay $0x1  }
0xa7: {  	v0 =	vadd.f32 v3, v0;
	_ =	sdelay $0x1  }
0xa8: {  	v0 =	vadd.f32 v1, v0;
	_ =	sdelay $0x1  }
0xa9: {  	v0 =	vmul.f32 $5.000000070e-02, v0;
	_ =	sdelay $0x1  }
0xaa: {  	[tilespmem:s23+$0xA2A0] =	vst v0  }
0xab: {  	v0 =	vld [tilespmem:s22+$0xFFFFFDB0]  }
0xac: {  	v1 =	vld [tilespmem:s22+$0xFFFFFDF0];
	_ =	sdelay $0x1  }
0xad: {  	v2 =	vld [tilespmem:s22+$0xFFFFFE30];
	_ =	sdelay $0x1  }
0xae: {  	v3 =	vld [tilespmem:s22+$0xFFFFFE70]  }
0xaf: {  	v0 =	vadd.f32 v1, v0  }
0xb0: {  	v1 =	vld [tilespmem:s22+$0xFFFFFEB0]  }
0xb1: {  	v0 =	vadd.f32 v2, v0  }
0xb2: {  	v2 =	vld [tilespmem:s22+$0xFFFFFEF0]  }
0xb3: {  	v0 =	vadd.f32 v3, v0  }
0xb4: {  	v3 =	vld [tilespmem:s22+$0xFFFFFF30]  }
0xb5: {  	v0 =	vadd.f32 v1, v0  }
0xb6: {  	v1 =	vld [tilespmem:s22+$0xFFFFFF70]  }
0xb7: {  	v0 =	vadd.f32 v2, v0  }
0xb8: {  	v2 =	vld [tilespmem:s22+$0xFFFFFFB0]  }
0xb9: {  	v0 =	vadd.f32 v3, v0  }
0xba: {  	v3 =	vld [tilespmem:s22+$0xFFFFFFF0]  }
0xbb: {  	v0 =	vadd.f32 v1, v0  }
0xbc: {  	v1 =	vld [tilespmem:s22+$0x30]  }
0xbd: {  	v0 =	vadd.f32 v2, v0  }
0xbe: {  	v2 =	vld [tilespmem:s22+$0x70]  }
0xbf: {  	v0 =	vadd.f32 v3, v0  }
0xc0: {  	v3 =	vld [tilespmem:s22+$0xB0]  }
0xc1: {  	v0 =	vadd.f32 v1, v0  }
0xc2: {  	v1 =	vld [tilespmem:s22+$0xF0]  }
0xc3: {  	v0 =	vadd.f32 v2, v0  }
0xc4: {  	v2 =	vld [tilespmem:s22+$0x130]  }
0xc5: {  	v0 =	vadd.f32 v3, v0  }
0xc6: {  	v3 =	vld [tilespmem:s22+$0x170]  }
0xc7: {  	v0 =	vadd.f32 v1, v0  }
0xc8: {  	v1 =	vld [tilespmem:s22+$0x1B0]  }
0xc9: {  	v0 =	vadd.f32 v2, v0  }
0xca: {  	v2 =	vld [tilespmem:s22+$0x1F0]  }
0xcb: {  	v0 =	vadd.f32 v3, v0;
	_ =	sdelay $0x1  }
0xcc: {  	v3 =	vld [tilespmem:s22+$0x230];
	v0 =	vadd.f32 v1, v0;
	_ =	sdelay $0x1  }
0xcd: {  	v1 =	vadd.f32 v2, v0;
	v0 =	vld [tilespmem:s22+$0x270];
	_ =	sdelay $0x2  }
0xce: {  	s24 =	simm.s32 $0x100;
	v1 =	vadd.f32 v3, v1  }
.LBB2_3:
0xcf: {  	p0 =	sne.s32 s24, $0x1F00  }
0xd0: {  	s22 =	sadd.s32 $0x500, s22;
	s25 =	smov.u32 s24;
	s24 =	sadd.s32 $0x100, s24;
	v0 =	vadd.f32 v0, v1  }
0xd1: {  	_ = 	snop  }
0xd2: {  	v0 =	vmul.f32 $5.000000070e-02, v0;
	_ =	sdelay $0x1  }
0xd3: {  	[tilespmem:s23+$0xA2B0] =	vst v0  }
0xd4: {  	v0 =	vld [tilespmem:s22+$0xFFFFFDC0]  }
0xd5: {  	v1 =	vld [tilespmem:s22+$0xFFFFFD80];
	_ =	sdelay $0x1  }
0xd6: {  	v2 =	vld [tilespmem:s22+$0xFFFFFE00];
	_ =	sdelay $0x1  }
0xd7: {  	v3 =	vld [tilespmem:s22+$0xFFFFFE40]  }
0xd8: {  	v0 =	vadd.f32 v0, v1  }
0xd9: {  	v1 =	vld [tilespmem:s22+$0xFFFFFE80]  }
0xda: {  	v0 =	vadd.f32 v2, v0  }
0xdb: {  	v2 =	vld [tilespmem:s22+$0xFFFFFEC0]  }
0xdc: {  	v0 =	vadd.f32 v3, v0  }
0xdd: {  	v3 =	vld [tilespmem:s22+$0xFFFFFF00]  }
0xde: {  	v0 =	vadd.f32 v1, v0  }
0xdf: {  	v1 =	vld [tilespmem:s22+$0xFFFFFF40]  }
0xe0: {  	v0 =	vadd.f32 v2, v0  }
0xe1: {  	v2 =	vld [tilespmem:s22+$0xFFFFFF80]  }
0xe2: {  	v0 =	vadd.f32 v3, v0  }
0xe3: {  	v3 =	vld [tilespmem:s22+$0xFFFFFFC0]  }
0xe4: {  	v0 =	vadd.f32 v1, v0  }
0xe5: {  	v1 =	vld [tilespmem:s22+$0x0]  }
0xe6: {  	v0 =	vadd.f32 v2, v0  }
0xe7: {  	v2 =	vld [tilespmem:s22+$0x40]  }
0xe8: {  	v0 =	vadd.f32 v3, v0  }
0xe9: {  	v3 =	vld [tilespmem:s22+$0x80]  }
0xea: {  	v0 =	vadd.f32 v1, v0  }
0xeb: {  	v1 =	vld [tilespmem:s22+$0xC0]  }
0xec: {  	v0 =	vadd.f32 v2, v0  }
0xed: {  	v2 =	vld [tilespmem:s22+$0x100]  }
0xee: {  	v0 =	vadd.f32 v3, v0  }
0xef: {  	v3 =	vld [tilespmem:s22+$0x140]  }
0xf0: {  	v0 =	vadd.f32 v1, v0  }
0xf1: {  	v1 =	vld [tilespmem:s22+$0x180]  }
0xf2: {  	v0 =	vadd.f32 v2, v0  }
0xf3: {  	v2 =	vld [tilespmem:s22+$0x1C0]  }
0xf4: {  	v0 =	vadd.f32 v3, v0  }
0xf5: {  	v3 =	vld [tilespmem:s22+$0x200]  }
0xf6: {  	v0 =	vadd.f32 v1, v0  }
0xf7: {  	v1 =	vld [tilespmem:s22+$0x240]  }
0xf8: {  	v0 =	vadd.f32 v2, v0;
	_ =	sdelay $0x1  }
0xf9: {  	v0 =	vadd.f32 v3, v0;
	_ =	sdelay $0x1  }
0xfa: {  	v0 =	vadd.f32 v1, v0;
	_ =	sdelay $0x1  }
0xfb: {  	v0 =	vmul.f32 $5.000000070e-02, v0  }
0xfc: {  	s23 =	sshra.s32 s25, $0x2  }
0xfd: {  	[tilespmem:s23+$0xA280] =	vst v0  }
0xfe: {  	v0 =	vld [tilespmem:s22+$0xFFFFFD90]  }
0xff: {  	v1 =	vld [tilespmem:s22+$0xFFFFFDD0];
	_ =	sdelay $0x1  }
0x100: {  	v2 =	vld [tilespmem:s22+$0xFFFFFE10];
	_ =	sdelay $0x1  }
0x101: {  	v3 =	vld [tilespmem:s22+$0xFFFFFE50]  }
0x102: {  	v0 =	vadd.f32 v1, v0  }
0x103: {  	v1 =	vld [tilespmem:s22+$0xFFFFFE90]  }
0x104: {  	v0 =	vadd.f32 v2, v0  }
0x105: {  	v2 =	vld [tilespmem:s22+$0xFFFFFED0]  }
0x106: {  	v0 =	vadd.f32 v3, v0  }
0x107: {  	v3 =	vld [tilespmem:s22+$0xFFFFFF10]  }
0x108: {  	v0 =	vadd.f32 v1, v0  }
0x109: {  	v1 =	vld [tilespmem:s22+$0xFFFFFF50]  }
0x10a: {  	v0 =	vadd.f32 v2, v0  }
0x10b: {  	v2 =	vld [tilespmem:s22+$0xFFFFFF90]  }
0x10c: {  	v0 =	vadd.f32 v3, v0  }
0x10d: {  	v3 =	vld [tilespmem:s22+$0xFFFFFFD0]  }
0x10e: {  	v0 =	vadd.f32 v1, v0  }
0x10f: {  	v1 =	vld [tilespmem:s22+$0x10]  }
0x110: {  	v0 =	vadd.f32 v2, v0  }
0x111: {  	v2 =	vld [tilespmem:s22+$0x50]  }
0x112: {  	v0 =	vadd.f32 v3, v0  }
0x113: {  	v3 =	vld [tilespmem:s22+$0x90]  }
0x114: {  	v0 =	vadd.f32 v1, v0  }
0x115: {  	v1 =	vld [tilespmem:s22+$0xD0]  }
0x116: {  	v0 =	vadd.f32 v2, v0  }
0x117: {  	v2 =	vld [tilespmem:s22+$0x110]  }
0x118: {  	v0 =	vadd.f32 v3, v0  }
0x119: {  	v3 =	vld [tilespmem:s22+$0x150]  }
0x11a: {  	v0 =	vadd.f32 v1, v0  }
0x11b: {  	v1 =	vld [tilespmem:s22+$0x190]  }
0x11c: {  	v0 =	vadd.f32 v2, v0  }
0x11d: {  	v2 =	vld [tilespmem:s22+$0x1D0]  }
0x11e: {  	v0 =	vadd.f32 v3, v0  }
0x11f: {  	v3 =	vld [tilespmem:s22+$0x210]  }
0x120: {  	v0 =	vadd.f32 v1, v0  }
0x121: {  	v1 =	vld [tilespmem:s22+$0x250]  }
0x122: {  	v0 =	vadd.f32 v2, v0;
	_ =	sdelay $0x1  }
0x123: {  	v0 =	vadd.f32 v3, v0;
	_ =	sdelay $0x1  }
0x124: {  	v0 =	vadd.f32 v1, v0;
	_ =	sdelay $0x1  }
0x125: {  	v0 =	vmul.f32 $5.000000070e-02, v0;
	_ =	sdelay $0x1  }
0x126: {  	[tilespmem:s23+$0xA290] =	vst v0  }
0x127: {  	v0 =	vld [tilespmem:s22+$0xFFFFFDA0]  }
0x128: {  	v1 =	vld [tilespmem:s22+$0xFFFFFDE0];
	_ =	sdelay $0x1  }
0x129: {  	v2 =	vld [tilespmem:s22+$0xFFFFFE20];
	_ =	sdelay $0x1  }
0x12a: {  	v3 =	vld [tilespmem:s22+$0xFFFFFE60]  }
0x12b: {  	v0 =	vadd.f32 v1, v0  }
0x12c: {  	v1 =	vld [tilespmem:s22+$0xFFFFFEA0]  }
0x12d: {  	v0 =	vadd.f32 v2, v0  }
0x12e: {  	v2 =	vld [tilespmem:s22+$0xFFFFFEE0]  }
0x12f: {  	v0 =	vadd.f32 v3, v0  }
0x130: {  	v3 =	vld [tilespmem:s22+$0xFFFFFF20]  }
0x131: {  	v0 =	vadd.f32 v1, v0  }
0x132: {  	v1 =	vld [tilespmem:s22+$0xFFFFFF60]  }
0x133: {  	v0 =	vadd.f32 v2, v0  }
0x134: {  	v2 =	vld [tilespmem:s22+$0xFFFFFFA0]  }
0x135: {  	v0 =	vadd.f32 v3, v0  }
0x136: {  	v3 =	vld [tilespmem:s22+$0xFFFFFFE0]  }
0x137: {  	v0 =	vadd.f32 v1, v0  }
0x138: {  	v1 =	vld [tilespmem:s22+$0x20]  }
0x139: {  	v0 =	vadd.f32 v2, v0  }
0x13a: {  	v2 =	vld [tilespmem:s22+$0x60]  }
0x13b: {  	v0 =	vadd.f32 v3, v0  }
0x13c: {  	v3 =	vld [tilespmem:s22+$0xA0]  }
0x13d: {  	v0 =	vadd.f32 v1, v0  }
0x13e: {  	v1 =	vld [tilespmem:s22+$0xE0]  }
0x13f: {  	v0 =	vadd.f32 v2, v0  }
0x140: {  	v2 =	vld [tilespmem:s22+$0x120]  }
0x141: {  	v0 =	vadd.f32 v3, v0  }
0x142: {  	v3 =	vld [tilespmem:s22+$0x160]  }
0x143: {  	v0 =	vadd.f32 v1, v0  }
0x144: {  	v1 =	vld [tilespmem:s22+$0x1A0]  }
0x145: {  	v0 =	vadd.f32 v2, v0  }
0x146: {  	v2 =	vld [tilespmem:s22+$0x1E0]  }
0x147: {  	v0 =	vadd.f32 v3, v0  }
0x148: {  	v3 =	vld [tilespmem:s22+$0x220]  }
0x149: {  	v0 =	vadd.f32 v1, v0  }
0x14a: {  	v1 =	vld [tilespmem:s22+$0x260]  }
0x14b: {  	v0 =	vadd.f32 v2, v0;
	_ =	sdelay $0x1  }
0x14c: {  	v0 =	vadd.f32 v3, v0;
	_ =	sdelay $0x1  }
0x14d: {  	v0 =	vadd.f32 v1, v0;
	_ =	sdelay $0x1  }
0x14e: {  	v0 =	vmul.f32 $5.000000070e-02, v0;
	_ =	sdelay $0x1  }
0x14f: {  	[tilespmem:s23+$0xA2A0] =	vst v0  }
0x150: {  	v0 =	vld [tilespmem:s22+$0xFFFFFDB0]  }
0x151: {  	v1 =	vld [tilespmem:s22+$0xFFFFFDF0]  }
0x152: {  	v2 =	vld [tilespmem:s22+$0xFFFFFE30]  }
0x153: {  	v3 =	vld [tilespmem:s22+$0xFFFFFE70]  }
0x154: {  	v4 =	vld [tilespmem:s22+$0xFFFFFEB0]  }
0x155: {  	v5 =	vld [tilespmem:s22+$0xFFFFFEF0]  }
0x156: {  	v0 =	vadd.f32 v1, v0;
	v1 =	vld [tilespmem:s22+$0xFFFFFF30]  }
0x157: {  	v6 =	vld [tilespmem:s22+$0xFFFFFF70]  }
0x158: {  	v0 =	vadd.f32 v2, v0;
	v2 =	vld [tilespmem:s22+$0xFFFFFFB0]  }
0x159: {  	v7 =	vld [tilespmem:s22+$0xFFFFFFF0]  }
0x15a: {  	v0 =	vadd.f32 v3, v0;
	v3 =	vld [tilespmem:s22+$0x30]  }
0x15b: {  	v8 =	vld [tilespmem:s22+$0x70]  }
0x15c: {  	v0 =	vadd.f32 v4, v0;
	v4 =	vld [tilespmem:s22+$0xB0]  }
0x15d: {  	v9 =	vld [tilespmem:s22+$0xF0]  }
0x15e: {  	v0 =	vadd.f32 v5, v0;
	v5 =	vld [tilespmem:s22+$0x130]  }
0x15f: {  	v10 =	vld [tilespmem:s22+$0x170]  }
0x160: {  	v0 =	vadd.f32 v1, v0;
	v1 =	vld [tilespmem:s22+$0x1B0]  }
0x161: {  	v11 =	vld [tilespmem:s22+$0x1F0]  }
0x162: {  	v6 =	vadd.f32 v6, v0;
	v12 =	vld [tilespmem:s22+$0x230]  }
0x163: {  	v0 =	vld [tilespmem:s22+$0x270]  }
0x164: {  	v2 =	vadd.f32 v2, v6;
	_ =	sdelay $0x1  }
0x165: {  	v2 =	vadd.f32 v7, v2;
	_ =	sdelay $0x1  }
0x166: {  	v2 =	vadd.f32 v3, v2;
	_ =	sdelay $0x1  }
0x167: {  	v2 =	vadd.f32 v8, v2;
	_ =	sdelay $0x1  }
0x168: {  	v2 =	vadd.f32 v4, v2;
	_ =	sdelay $0x1  }
0x169: {  	v2 =	vadd.f32 v9, v2;
	_ =	sdelay $0x1  }
0x16a: {  	v2 =	vadd.f32 v5, v2;
	_ =	sdelay $0x1  }
0x16b: {  	v2 =	vadd.f32 v10, v2;
	_ =	sdelay $0x1  }
.Ltmp0:
0x16c: {  	v1 =	vadd.f32 v1, v2;
	(pc) =	sbr.rel @p0 .LBB2_3-.Ltmp0, $3  }
0x16d: {  	_ = 	snop  }
0x16e: {  	v1 =	vadd.f32 v11, v1;
	_ =	sdelay $0x1  }
0x16f: {  	v1 =	vadd.f32 v12, v1  }
0x170: {  	_ = 	snop  }
0x171: {  	v0 =	vadd.f32 v0, v1;
	_ =	sdelay $0x1  }
0x172: {  	s22 =	sshll.u32 s21, $0x8;
	s21 =	sadd.s32 $0x1, s21;
	v0 =	vmul.f32 $5.000000070e-02, v0  }
0x173: {  	p0 =	sne.s32 s21, $0x10  }
.Ltmp1:
0x174: {  	s22 =	sadd.s32 s22, s6;
	[tilespmem:s23+$0xA2B0] =	vst v0;
	(pc) =	sbr.rel @p0 .LBB2_2-.Ltmp1, $4  }
0x175: {  	[hbm4b:s22+s2] =	stream.linear.scatter [tilespmem:s19], [sflag:$0x2], $0x800, $0x38;
	[tilespmem:$0xAA80] =	vst v63  }
0x176: {  	_ =	swait.ge [sflag:s8], $0x800  }
0x177: {  	[sflag:s8] =	ssyncset.done $0x0  }
0x178: {  	[sflag:s8] =	ssyncadd.s32 $0xFFFFF800  }
0x179: {  	s20 =	sadd.s32 $0x1, s20  }
0x17a: {  	p0 =	sne.s32 s20, s7  }
.Ltmp2:
0x17b: {  	_ = 	snop;
	(pc) =	sbr.rel @p0 .LBB2_1-.Ltmp2, $1  }
0x17c: {  	_ =	sdelay $0x3  }
0x17d: {  	_ =	sfence.sel $0x180000  }
0x17e: {  	[bflag:$0x0] =	sbarrier.arrive $0xFFFF  }
0x17f: {  	p0 =	sne.s32 s1, $0x0;
	_ =	strace $0x90000047  }
0x180: {  	s0 =	sadd.s32 @!p0 $0x100000, s0;
	[bflag:$0x2] =	sbarrier.arrive $0xFFFF  }
0x181: {  	[sflag:s0] =	ssyncadd.tile.s32 @!p0 $0x1;
	_ =	shalt  }
.Lfunc_end2:
_tile_overlayer_lowered:
.L_overlay_start_2:
0x182: {  	(tag) =	ssettag $0x2  }
0x183: {  	s0 =	rddreg [dreg:$0x0];
	s2 =	stileid.u32  }
0x184: {  	s1 =	rddreg [dreg:$0x1];
	p0 =	sne.s32 s2, $0x0  }
0x185: {  	s3 =	rddreg [dreg:$0x2];
	[bflag:$0x3] =	sbarrier.arrive $0xFFFF;
	s2 =	simm.s32 @!p0 $0x1C02  }
0x186: {  	[timem:s3], [sflag:s2] =	dma.local @!p0 [hbm:s0], s1  }
0x187: {  	s0 =	simm.s32 @!p0 $0x2  }
0x188: {  	_ =	swait.ge @!p0 [sflag:s0], s1  }
0x189: {  	s1 =	ssub.s32 @!p0 $0x0, s1;
	[sflag:s0] =	ssyncset.done @!p0 $0x0  }
0x18a: {  	[sflag:s0] =	ssyncadd.s32 @!p0 s1  }
0x18b: {  	[bflag:$0x3] =	sbarrier.arrive $0xFFFF  }
0x18c: {  	_ =	shalt  }

</sc_bundles>
